<compile_context>
chip_gen: v7x
topology: tpu7x:2x2x1
jax: 0.10.2.dev20260603
libtpu: 0.0.44.dev20260713+nightly
codegen_flags: <defaults>
</compile_context>

<pallas_src>
import functools

import jax
import jax.numpy as jnp
from jax import lax
from jax.experimental import pallas as pl
from jax.experimental.pallas import tpu as pltpu
from jax.experimental.pallas import tpu_sc as plsc

_info = plsc.get_sparse_core_info()
_NC, _NS = _info.num_cores, _info.num_subcores
_NW = _NC * _NS


@functools.cache
def _make_lookup(N, S, D):
    ipw = N // _NW
    mesh = plsc.VectorSubcoreMesh(core_axis_name="c", subcore_axis_name="s")
    assert S % 2 == 0 and ipw % 8 == 0 and ipw <= 128

    half = ipw // 2
    nchunks = 2 * S

    @functools.partial(
        pl.kernel,
        out_type=jax.ShapeDtypeStruct((S, N, D), jnp.float32),
        mesh=mesh,
        scratch_types=[
            pltpu.VMEM((S, ipw), jnp.int32),
            pltpu.VMEM((half, D), jnp.float32),
            pltpu.VMEM((half, D), jnp.float32),
            pltpu.VMEM((half, D), jnp.float32),
            pltpu.VMEM((half, D), jnp.float32),
            pltpu.VMEM((half, D), jnp.float32),
            pltpu.SemaphoreType.DMA,
            pltpu.SemaphoreType.DMA,
            pltpu.SemaphoreType.DMA,
            pltpu.SemaphoreType.DMA,
            pltpu.SemaphoreType.DMA,
            pltpu.SemaphoreType.DMA,
            pltpu.SemaphoreType.DMA,
            pltpu.SemaphoreType.DMA,
            pltpu.SemaphoreType.DMA,
            pltpu.SemaphoreType.DMA,
        ],
    )
    def lookup(
        idxt_hbm, table_hbm, out_hbm, idx_v,
        buf0, buf1, buf2, buf3, buf4,
        g0, g1, g2, g3, g4, o0, o1, o2, o3, o4,
    ):
        wid = lax.axis_index("s") * _NC + lax.axis_index("c")
        col0 = wid * ipw
        pltpu.sync_copy(idxt_hbm.at[:, pl.ds(col0, ipw)], idx_v)
        bufs = (buf0, buf1, buf2, buf3, buf4)
        gsems = (g0, g1, g2, g3, g4)
        osems = (o0, o1, o2, o3, o4)

        def idx_slice(j, h):
            return idx_v.at[j].at[pl.ds(h * half, half)]

        def out_slice(j, h):
            return out_hbm.at[j].at[pl.ds(col0 + h * half, half)]

        def start_gather(j, h, b):
            pltpu.async_copy(table_hbm.at[idx_slice(j, h)], bufs[b], gsems[b])

        def wait_gather(j, h, b):
            pltpu.make_async_copy(
                table_hbm.at[idx_slice(j, h)], bufs[b], gsems[b]
            ).wait()

        def start_out(j, h, b):
            pltpu.async_copy(bufs[b], out_slice(j, h), osems[b])

        def wait_out(j, h, b):
            pltpu.make_async_copy(bufs[b], out_slice(j, h), osems[b]).wait()

        start_gather(0, 0, 0)
        start_gather(0, 1, 1)
        start_gather(1, 0, 2)

        def deca(q, carry):
            for u in range(10):
                j = 5 * q + (u // 2)
                h = u % 2
                b = u % 5
                wait_gather(j, h, b)
                start_out(j, h, b)
                b2 = (u + 3) % 5
                jn, hn = 5 * q + ((u + 3) // 2), (u + 3) % 2
                jw, hw = 5 * q + ((u - 2) // 2), (u - 2) % 2

                if u < 2:
                    @pl.when(q == 0)
                    def _():
                        start_gather(jn, hn, b2)

                    @pl.when(q > 0)
                    def _():
                        wait_out(jw, hw, b2)
                        start_gather(jn, hn, b2)
                else:

                    @pl.when(2 * jn + hn < nchunks)
                    def _():
                        wait_out(jw, hw, b2)
                        start_gather(jn, hn, b2)

            return carry

        lax.fori_loop(0, nchunks // 10, deca, None)
        for c in range(nchunks - 5, nchunks):
            wait_out(c // 2, c % 2, c % 5)

    return lookup


def kernel(action_indices, table):
    n, s = action_indices.shape
    D = table.shape[1]
    idx_t = jnp.transpose(action_indices.astype(jnp.int32))
    out_t = _make_lookup(n, s, D)(idx_t, table)
    return jnp.transpose(out_t, (1, 0, 2))

# --- scband reference (transcript-rebuilt; emitter-appended) ---
"""Pipeline reference for scband-action-embedding-31653908971948 (READ-ONLY COPY).

The authoritative reference and input builder live on the scoring server;
editing this copy changes nothing except your own understanding.
"""

import jax, jax.numpy as jnp
import numpy as np

VOCAB = 4101
EMBED_DIM = 256


def setup_inputs(seed: int = 0) -> dict:
    key = jax.random.key(seed)
    k_idx, k_tab = jax.random.split(key)
    action_indices = jax.random.randint(k_idx, (4096, 50), 0, VOCAB, dtype=jnp.int64 if jax.config.read('jax_enable_x64') else jnp.int32)
    table = jax.random.normal(k_tab, (VOCAB, EMBED_DIM), dtype=jnp.float32)
    return {"action_indices": action_indices, "table": table}


def reference(action_indices, table):
    # nn.Embedding forward: gather rows of the table by index.
    return jnp.take(table, action_indices, axis=0)

if __name__ == "__main__":
    import jax
    _d = setup_inputs()
    print(jax.jit(kernel)(*tuple(_d.values())))

</pallas_src>

<mosaic_0001>
#map = affine_map<(d0, d1) -> (0, 0)>
#map1 = affine_map<(d0, d1) -> (0, 0, 0)>
module attributes {stable_mosaic.version = 14 : i64} {
  func.func @lookup(%arg0: i32, %arg1: i32, %arg2: memref<50x4096xi32, #tpu.memory_space<hbm>>, %arg3: memref<4101x256xf32, #tpu.memory_space<hbm>>, %arg4: memref<50x4096x256xf32, #tpu.memory_space<hbm>>, %arg5: memref<50x128xi32, #tpu.memory_space<vmem>>, %arg6: memref<64x256xf32, #tpu.memory_space<vmem>>, %arg7: memref<64x256xf32, #tpu.memory_space<vmem>>, %arg8: memref<64x256xf32, #tpu.memory_space<vmem>>, %arg9: memref<64x256xf32, #tpu.memory_space<vmem>>, %arg10: memref<64x256xf32, #tpu.memory_space<vmem>>, %arg11: memref<!tpu.dma_semaphore, #tpu.memory_space<semaphore_mem>>, %arg12: memref<!tpu.dma_semaphore, #tpu.memory_space<semaphore_mem>>, %arg13: memref<!tpu.dma_semaphore, #tpu.memory_space<semaphore_mem>>, %arg14: memref<!tpu.dma_semaphore, #tpu.memory_space<semaphore_mem>>, %arg15: memref<!tpu.dma_semaphore, #tpu.memory_space<semaphore_mem>>, %arg16: memref<!tpu.dma_semaphore, #tpu.memory_space<semaphore_mem>>, %arg17: memref<!tpu.dma_semaphore, #tpu.memory_space<semaphore_mem>>, %arg18: memref<!tpu.dma_semaphore, #tpu.memory_space<semaphore_mem>>, %arg19: memref<!tpu.dma_semaphore, #tpu.memory_space<semaphore_mem>>, %arg20: memref<!tpu.dma_semaphore, #tpu.memory_space<semaphore_mem>>) attributes {dimension_semantics = [#tpu.dimension_semantics<core_parallel>, #tpu.dimension_semantics<subcore_parallel>], iteration_bounds = array<i64: 2, 16>, scalar_prefetch = 0 : i64, scratch_operands = 16 : i64, tpu.core_type = #tpu.core_type<sc_vector_subcore>, window_params = [{transform_indices = #map}, {transform_indices = #map}, {transform_indices = #map1}]} {
    %mul3A = arith.constant 2 : i32
    %mul3A_0 = arith.muli %arg1, %mul3A : i32
    %add3A = arith.addi %mul3A_0, %arg0 : i32
    %mul3A_1 = arith.constant 128 : i32
    %mul3A_2 = arith.muli %add3A, %mul3A_1 : i32
    "tpu.region"() ({
      %run_scoped3A = tpu.sem_alloc : memref<!tpu.dma_semaphore, #tpu.memory_space<semaphore_mem>>
      %dma_start3A_107 = arith.constant 0 : i32
      %dma_start3A_108 = tpu.memref_slice %arg2[%dma_start3A_107, %mul3A_2] : memref<50x4096xi32, #tpu.memory_space<hbm>> -> memref<50x128xi32, #tpu.memory_space<hbm>>
      %dma_start3A_109 = arith.constant 0 : i32
      %dma_start3A_110 = tpu.memref_slice %arg2[%dma_start3A_109, %mul3A_2] : memref<50x4096xi32, #tpu.memory_space<hbm>> -> memref<50x128xi32, #tpu.memory_space<hbm>>
      tpu.enqueue_dma source(%dma_start3A_110 : memref<50x128xi32, #tpu.memory_space<hbm>>) target(%arg5 : memref<50x128xi32, #tpu.memory_space<vmem>>) target_semaphore(%run_scoped3A : memref<!tpu.dma_semaphore, #tpu.memory_space<semaphore_mem>>)
      %dma_wait3A_111 = arith.constant 0 : i32
      %dma_wait3A_112 = tpu.memref_slice %arg2[%dma_wait3A_111, %mul3A_2] : memref<50x4096xi32, #tpu.memory_space<hbm>> -> memref<50x128xi32, #tpu.memory_space<hbm>>
      %dma_wait3A_113 = arith.constant 0 : i32
      %dma_wait3A_114 = tpu.memref_slice %arg2[%dma_wait3A_113, %mul3A_2] : memref<50x4096xi32, #tpu.memory_space<hbm>> -> memref<50x128xi32, #tpu.memory_space<hbm>>
      tpu.wait_dma2 semaphore(%run_scoped3A : memref<!tpu.dma_semaphore, #tpu.memory_space<semaphore_mem>>) src(%dma_wait3A_114 : memref<50x128xi32, #tpu.memory_space<hbm>>) dst(%arg5 : memref<50x128xi32, #tpu.memory_space<vmem>>)
      tpu.yield
    }) : () -> ()
    %dma_start3A = arith.constant 0 : i32
    %dma_start3A_3 = arith.constant 0 : i32
    %dma_start3A_4 = tpu.memref_slice %arg5[%dma_start3A, %dma_start3A_3] : memref<50x128xi32, #tpu.memory_space<vmem>> -> memref<1x128xi32, #tpu.memory_space<vmem>>
    %dma_start3A_5 = tpu.memref_squeeze %dma_start3A_4 : memref<1x128xi32, #tpu.memory_space<vmem>> -> memref<128xi32, #tpu.memory_space<vmem>>
    %dma_start3A_6 = arith.constant 0 : i32
    %dma_start3A_7 = tpu.memref_slice %dma_start3A_5[%dma_start3A_6] : memref<128xi32, #tpu.memory_space<vmem>> -> memref<64xi32, #tpu.memory_space<vmem>>
    %dma_start3A_8 = arith.constant 0 : i32
    %dma_start3A_9 = arith.constant 0 : i32
    %dma_start3A_10 = tpu.memref_slice %arg3[%dma_start3A_8, %dma_start3A_9] : memref<4101x256xf32, #tpu.memory_space<hbm>> -> memref<4101x256xf32, #tpu.memory_space<hbm>>
    tpu.enqueue_indirect_dma source(%dma_start3A_10 : memref<4101x256xf32, #tpu.memory_space<hbm>>) target(%arg6 : memref<64x256xf32, #tpu.memory_space<vmem>>) offsets(%dma_start3A_7 : memref<64xi32, #tpu.memory_space<vmem>>) semaphore(%arg11 : memref<!tpu.dma_semaphore, #tpu.memory_space<semaphore_mem>>)
    %dma_start3A_11 = arith.constant 0 : i32
    %dma_start3A_12 = arith.constant 0 : i32
    %dma_start3A_13 = tpu.memref_slice %arg5[%dma_start3A_11, %dma_start3A_12] : memref<50x128xi32, #tpu.memory_space<vmem>> -> memref<1x128xi32, #tpu.memory_space<vmem>>
    %dma_start3A_14 = tpu.memref_squeeze %dma_start3A_13 : memref<1x128xi32, #tpu.memory_space<vmem>> -> memref<128xi32, #tpu.memory_space<vmem>>
    %dma_start3A_15 = arith.constant 64 : i32
    %dma_start3A_16 = tpu.memref_slice %dma_start3A_14[%dma_start3A_15] : memref<128xi32, #tpu.memory_space<vmem>> -> memref<64xi32, #tpu.memory_space<vmem>>
    %dma_start3A_17 = arith.constant 0 : i32
    %dma_start3A_18 = arith.constant 0 : i32
    %dma_start3A_19 = tpu.memref_slice %arg3[%dma_start3A_17, %dma_start3A_18] : memref<4101x256xf32, #tpu.memory_space<hbm>> -> memref<4101x256xf32, #tpu.memory_space<hbm>>
    tpu.enqueue_indirect_dma source(%dma_start3A_19 : memref<4101x256xf32, #tpu.memory_space<hbm>>) target(%arg7 : memref<64x256xf32, #tpu.memory_space<vmem>>) offsets(%dma_start3A_16 : memref<64xi32, #tpu.memory_space<vmem>>) semaphore(%arg12 : memref<!tpu.dma_semaphore, #tpu.memory_space<semaphore_mem>>)
    %dma_start3A_20 = arith.constant 1 : i32
    %dma_start3A_21 = arith.constant 0 : i32
    %dma_start3A_22 = tpu.memref_slice %arg5[%dma_start3A_20, %dma_start3A_21] : memref<50x128xi32, #tpu.memory_space<vmem>> -> memref<1x128xi32, #tpu.memory_space<vmem>>
    %dma_start3A_23 = tpu.memref_squeeze %dma_start3A_22 : memref<1x128xi32, #tpu.memory_space<vmem>> -> memref<128xi32, #tpu.memory_space<vmem>>
    %dma_start3A_24 = arith.constant 0 : i32
    %dma_start3A_25 = tpu.memref_slice %dma_start3A_23[%dma_start3A_24] : memref<128xi32, #tpu.memory_space<vmem>> -> memref<64xi32, #tpu.memory_space<vmem>>
    %dma_start3A_26 = arith.constant 0 : i32
    %dma_start3A_27 = arith.constant 0 : i32
    %dma_start3A_28 = tpu.memref_slice %arg3[%dma_start3A_26, %dma_start3A_27] : memref<4101x256xf32, #tpu.memory_space<hbm>> -> memref<4101x256xf32, #tpu.memory_space<hbm>>
    tpu.enqueue_indirect_dma source(%dma_start3A_28 : memref<4101x256xf32, #tpu.memory_space<hbm>>) target(%arg8 : memref<64x256xf32, #tpu.memory_space<vmem>>) offsets(%dma_start3A_25 : memref<64xi32, #tpu.memory_space<vmem>>) semaphore(%arg13 : memref<!tpu.dma_semaphore, #tpu.memory_space<semaphore_mem>>)
    %scan3A = arith.constant 0 : i32
    %scan3A_29 = arith.constant 10 : i32
    %scan3A_30 = arith.addi %scan3A, %scan3A_29 : i32
    %scan3A_31 = arith.constant 1 : i32
    scf.for %scan3A_107 = %scan3A to %scan3A_30 step %scan3A_31  : i32 {
      %mul3A_108 = arith.constant 5 : i32
      %mul3A_109 = arith.muli %mul3A_108, %scan3A_107 : i32
      %add3A_110 = arith.constant 0 : i32
      %add3A_111 = arith.addi %mul3A_109, %add3A_110 : i32
      %dma_wait3A_112 = arith.constant 0 : i32
      %dma_wait3A_113 = tpu.memref_slice %arg5[%add3A_111, %dma_wait3A_112] : memref<50x128xi32, #tpu.memory_space<vmem>> -> memref<1x128xi32, #tpu.memory_space<vmem>>
      %dma_wait3A_114 = tpu.memref_squeeze %dma_wait3A_113 : memref<1x128xi32, #tpu.memory_space<vmem>> -> memref<128xi32, #tpu.memory_space<vmem>>
      %dma_wait3A_115 = arith.constant 0 : i32
      %dma_wait3A_116 = tpu.memref_slice %dma_wait3A_114[%dma_wait3A_115] : memref<128xi32, #tpu.memory_space<vmem>> -> memref<64xi32, #tpu.memory_space<vmem>>
      %dma_wait3A_117 = arith.constant 0 : i32
      %dma_wait3A_118 = arith.constant 0 : i32
      %dma_wait3A_119 = tpu.memref_slice %arg3[%dma_wait3A_117, %dma_wait3A_118] : memref<4101x256xf32, #tpu.memory_space<hbm>> -> memref<4101x256xf32, #tpu.memory_space<hbm>>
      tpu.wait_indirect_dma semaphore(%arg11 : memref<!tpu.dma_semaphore, #tpu.memory_space<semaphore_mem>>) src(%dma_wait3A_119 : memref<4101x256xf32, #tpu.memory_space<hbm>>) dst(%arg6 : memref<64x256xf32, #tpu.memory_space<vmem>>)
      %add3A_120 = arith.constant 0 : i32
      %add3A_121 = arith.addi %mul3A_2, %add3A_120 : i32
      %dma_start3A_122 = arith.constant 0 : i32
      %dma_start3A_123 = arith.constant 0 : i32
      %dma_start3A_124 = tpu.memref_slice %arg4[%add3A_111, %dma_start3A_122, %dma_start3A_123] : memref<50x4096x256xf32, #tpu.memory_space<hbm>> -> memref<1x4096x256xf32, #tpu.memory_space<hbm>>
      %dma_start3A_125 = tpu.memref_squeeze %dma_start3A_124 : memref<1x4096x256xf32, #tpu.memory_space<hbm>> -> memref<4096x256xf32, #tpu.memory_space<hbm>>
      %dma_start3A_126 = arith.constant 0 : i32
      %dma_start3A_127 = tpu.memref_slice %dma_start3A_125[%add3A_121, %dma_start3A_126] : memref<4096x256xf32, #tpu.memory_space<hbm>> -> memref<64x256xf32, #tpu.memory_space<hbm>>
      %dma_start3A_128 = arith.constant 0 : i32
      %dma_start3A_129 = arith.constant 0 : i32
      %dma_start3A_130 = tpu.memref_slice %arg4[%add3A_111, %dma_start3A_128, %dma_start3A_129] : memref<50x4096x256xf32, #tpu.memory_space<hbm>> -> memref<1x4096x256xf32, #tpu.memory_space<hbm>>
      %dma_start3A_131 = tpu.memref_squeeze %dma_start3A_130 : memref<1x4096x256xf32, #tpu.memory_space<hbm>> -> memref<4096x256xf32, #tpu.memory_space<hbm>>
      %dma_start3A_132 = arith.constant 0 : i32
      %dma_start3A_133 = tpu.memref_slice %dma_start3A_131[%add3A_121, %dma_start3A_132] : memref<4096x256xf32, #tpu.memory_space<hbm>> -> memref<64x256xf32, #tpu.memory_space<hbm>>
      tpu.enqueue_dma source(%arg6 : memref<64x256xf32, #tpu.memory_space<vmem>>) target(%dma_start3A_133 : memref<64x256xf32, #tpu.memory_space<hbm>>) target_semaphore(%arg16 : memref<!tpu.dma_semaphore, #tpu.memory_space<semaphore_mem>>)
      %mul3A_134 = arith.constant 5 : i32
      %mul3A_135 = arith.muli %mul3A_134, %scan3A_107 : i32
      %add3A_136 = arith.constant 1 : i32
      %add3A_137 = arith.addi %mul3A_135, %add3A_136 : i32
      %mul3A_138 = arith.constant 5 : i32
      %mul3A_139 = arith.muli %mul3A_138, %scan3A_107 : i32
      %add3A_140 = arith.constant -1 : i32
      %add3A_141 = arith.addi %mul3A_139, %add3A_140 : i32
      %eq3A = arith.constant 0 : i32
      %eq3A_142 = arith.cmpi eq, %scan3A_107, %eq3A : i32
      %convert_element_type3A = arith.extui %eq3A_142 : i1 to i32
      %cond3A = arith.constant 0 : i32
      %cond3A_143 = arith.cmpi ne, %convert_element_type3A, %cond3A : i32
      scf.if %cond3A_143 {
        %dma_start3A_535 = arith.constant 0 : i32
        %dma_start3A_536 = tpu.memref_slice %arg5[%add3A_137, %dma_start3A_535] : memref<50x128xi32, #tpu.memory_space<vmem>> -> memref<1x128xi32, #tpu.memory_space<vmem>>
        %dma_start3A_537 = tpu.memref_squeeze %dma_start3A_536 : memref<1x128xi32, #tpu.memory_space<vmem>> -> memref<128xi32, #tpu.memory_space<vmem>>
        %dma_start3A_538 = arith.constant 64 : i32
        %dma_start3A_539 = tpu.memref_slice %dma_start3A_537[%dma_start3A_538] : memref<128xi32, #tpu.memory_space<vmem>> -> memref<64xi32, #tpu.memory_space<vmem>>
        %dma_start3A_540 = arith.constant 0 : i32
        %dma_start3A_541 = arith.constant 0 : i32
        %dma_start3A_542 = tpu.memref_slice %arg3[%dma_start3A_540, %dma_start3A_541] : memref<4101x256xf32, #tpu.memory_space<hbm>> -> memref<4101x256xf32, #tpu.memory_space<hbm>>
        tpu.enqueue_indirect_dma source(%dma_start3A_542 : memref<4101x256xf32, #tpu.memory_space<hbm>>) target(%arg9 : memref<64x256xf32, #tpu.memory_space<vmem>>) offsets(%dma_start3A_539 : memref<64xi32, #tpu.memory_space<vmem>>) semaphore(%arg14 : memref<!tpu.dma_semaphore, #tpu.memory_space<semaphore_mem>>)
      } else {
      }
      %gt3A = arith.constant 0 : i32
      %gt3A_144 = arith.cmpi sgt, %scan3A_107, %gt3A : i32
      %convert_element_type3A_145 = arith.extui %gt3A_144 : i1 to i32
      %cond3A_146 = arith.constant 0 : i32
      %cond3A_147 = arith.cmpi ne, %convert_element_type3A_145, %cond3A_146 : i32
      scf.if %cond3A_147 {
        %add3A_535 = arith.constant 0 : i32
        %add3A_536 = arith.addi %mul3A_2, %add3A_535 : i32
        %dma_wait3A_537 = arith.constant 0 : i32
        %dma_wait3A_538 = arith.constant 0 : i32
        %dma_wait3A_539 = tpu.memref_slice %arg4[%add3A_141, %dma_wait3A_537, %dma_wait3A_538] : memref<50x4096x256xf32, #tpu.memory_space<hbm>> -> memref<1x4096x256xf32, #tpu.memory_space<hbm>>
        %dma_wait3A_540 = tpu.memref_squeeze %dma_wait3A_539 : memref<1x4096x256xf32, #tpu.memory_space<hbm>> -> memref<4096x256xf32, #tpu.memory_space<hbm>>
        %dma_wait3A_541 = arith.constant 0 : i32
        %dma_wait3A_542 = tpu.memref_slice %dma_wait3A_540[%add3A_536, %dma_wait3A_541] : memref<4096x256xf32, #tpu.memory_space<hbm>> -> memref<64x256xf32, #tpu.memory_space<hbm>>
        %dma_wait3A_543 = arith.constant 0 : i32
        %dma_wait3A_544 = arith.constant 0 : i32
        %dma_wait3A_545 = tpu.memref_slice %arg4[%add3A_141, %dma_wait3A_543, %dma_wait3A_544] : memref<50x4096x256xf32, #tpu.memory_space<hbm>> -> memref<1x4096x256xf32, #tpu.memory_space<hbm>>
        %dma_wait3A_546 = tpu.memref_squeeze %dma_wait3A_545 : memref<1x4096x256xf32, #tpu.memory_space<hbm>> -> memref<4096x256xf32, #tpu.memory_space<hbm>>
        %dma_wait3A_547 = arith.constant 0 : i32
        %dma_wait3A_548 = tpu.memref_slice %dma_wait3A_546[%add3A_536, %dma_wait3A_547] : memref<4096x256xf32, #tpu.memory_space<hbm>> -> memref<64x256xf32, #tpu.memory_space<hbm>>
        tpu.wait_dma2 semaphore(%arg19 : memref<!tpu.dma_semaphore, #tpu.memory_space<semaphore_mem>>) src(%arg9 : memref<64x256xf32, #tpu.memory_space<vmem>>) dst(%dma_wait3A_548 : memref<64x256xf32, #tpu.memory_space<hbm>>)
        %dma_start3A_549 = arith.constant 0 : i32
        %dma_start3A_550 = tpu.memref_slice %arg5[%add3A_137, %dma_start3A_549] : memref<50x128xi32, #tpu.memory_space<vmem>> -> memref<1x128xi32, #tpu.memory_space<vmem>>
        %dma_start3A_551 = tpu.memref_squeeze %dma_start3A_550 : memref<1x128xi32, #tpu.memory_space<vmem>> -> memref<128xi32, #tpu.memory_space<vmem>>
        %dma_start3A_552 = arith.constant 64 : i32
        %dma_start3A_553 = tpu.memref_slice %dma_start3A_551[%dma_start3A_552] : memref<128xi32, #tpu.memory_space<vmem>> -> memref<64xi32, #tpu.memory_space<vmem>>
        %dma_start3A_554 = arith.constant 0 : i32
        %dma_start3A_555 = arith.constant 0 : i32
        %dma_start3A_556 = tpu.memref_slice %arg3[%dma_start3A_554, %dma_start3A_555] : memref<4101x256xf32, #tpu.memory_space<hbm>> -> memref<4101x256xf32, #tpu.memory_space<hbm>>
        tpu.enqueue_indirect_dma source(%dma_start3A_556 : memref<4101x256xf32, #tpu.memory_space<hbm>>) target(%arg9 : memref<64x256xf32, #tpu.memory_space<vmem>>) offsets(%dma_start3A_553 : memref<64xi32, #tpu.memory_space<vmem>>) semaphore(%arg14 : memref<!tpu.dma_semaphore, #tpu.memory_space<semaphore_mem>>)
      } else {
      }
      %mul3A_148 = arith.constant 5 : i32
      %mul3A_149 = arith.muli %mul3A_148, %scan3A_107 : i32
      %add3A_150 = arith.constant 0 : i32
      %add3A_151 = arith.addi %mul3A_149, %add3A_150 : i32
      %dma_wait3A_152 = arith.constant 0 : i32
      %dma_wait3A_153 = tpu.memref_slice %arg5[%add3A_151, %dma_wait3A_152] : memref<50x128xi32, #tpu.memory_space<vmem>> -> memref<1x128xi32, #tpu.memory_space<vmem>>
      %dma_wait3A_154 = tpu.memref_squeeze %dma_wait3A_153 : memref<1x128xi32, #tpu.memory_space<vmem>> -> memref<128xi32, #tpu.memory_space<vmem>>
      %dma_wait3A_155 = arith.constant 64 : i32
      %dma_wait3A_156 = tpu.memref_slice %dma_wait3A_154[%dma_wait3A_155] : memref<128xi32, #tpu.memory_space<vmem>> -> memref<64xi32, #tpu.memory_space<vmem>>
      %dma_wait3A_157 = arith.constant 0 : i32
      %dma_wait3A_158 = arith.constant 0 : i32
      %dma_wait3A_159 = tpu.memref_slice %arg3[%dma_wait3A_157, %dma_wait3A_158] : memref<4101x256xf32, #tpu.memory_space<hbm>> -> memref<4101x256xf32, #tpu.memory_space<hbm>>
      tpu.wait_indirect_dma semaphore(%arg12 : memref<!tpu.dma_semaphore, #tpu.memory_space<semaphore_mem>>) src(%dma_wait3A_159 : memref<4101x256xf32, #tpu.memory_space<hbm>>) dst(%arg7 : memref<64x256xf32, #tpu.memory_space<vmem>>)
      %add3A_160 = arith.constant 64 : i32
      %add3A_161 = arith.addi %mul3A_2, %add3A_160 : i32
      %dma_start3A_162 = arith.constant 0 : i32
      %dma_start3A_163 = arith.constant 0 : i32
      %dma_start3A_164 = tpu.memref_slice %arg4[%add3A_151, %dma_start3A_162, %dma_start3A_163] : memref<50x4096x256xf32, #tpu.memory_space<hbm>> -> memref<1x4096x256xf32, #tpu.memory_space<hbm>>
      %dma_start3A_165 = tpu.memref_squeeze %dma_start3A_164 : memref<1x4096x256xf32, #tpu.memory_space<hbm>> -> memref<4096x256xf32, #tpu.memory_space<hbm>>
      %dma_start3A_166 = arith.constant 0 : i32
      %dma_start3A_167 = tpu.memref_slice %dma_start3A_165[%add3A_161, %dma_start3A_166] : memref<4096x256xf32, #tpu.memory_space<hbm>> -> memref<64x256xf32, #tpu.memory_space<hbm>>
      %dma_start3A_168 = arith.constant 0 : i32
      %dma_start3A_169 = arith.constant 0 : i32
      %dma_start3A_170 = tpu.memref_slice %arg4[%add3A_151, %dma_start3A_168, %dma_start3A_169] : memref<50x4096x256xf32, #tpu.memory_space<hbm>> -> memref<1x4096x256xf32, #tpu.memory_space<hbm>>
      %dma_start3A_171 = tpu.memref_squeeze %dma_start3A_170 : memref<1x4096x256xf32, #tpu.memory_space<hbm>> -> memref<4096x256xf32, #tpu.memory_space<hbm>>
      %dma_start3A_172 = arith.constant 0 : i32
      %dma_start3A_173 = tpu.memref_slice %dma_start3A_171[%add3A_161, %dma_start3A_172] : memref<4096x256xf32, #tpu.memory_space<hbm>> -> memref<64x256xf32, #tpu.memory_space<hbm>>
      tpu.enqueue_dma source(%arg7 : memref<64x256xf32, #tpu.memory_space<vmem>>) target(%dma_start3A_173 : memref<64x256xf32, #tpu.memory_space<hbm>>) target_semaphore(%arg17 : memref<!tpu.dma_semaphore, #tpu.memory_space<semaphore_mem>>)
      %mul3A_174 = arith.constant 5 : i32
      %mul3A_175 = arith.muli %mul3A_174, %scan3A_107 : i32
      %add3A_176 = arith.constant 2 : i32
      %add3A_177 = arith.addi %mul3A_175, %add3A_176 : i32
      %mul3A_178 = arith.constant 5 : i32
      %mul3A_179 = arith.muli %mul3A_178, %scan3A_107 : i32
      %add3A_180 = arith.constant -1 : i32
      %add3A_181 = arith.addi %mul3A_179, %add3A_180 : i32
      %eq3A_182 = arith.constant 0 : i32
      %eq3A_183 = arith.cmpi eq, %scan3A_107, %eq3A_182 : i32
      %convert_element_type3A_184 = arith.extui %eq3A_183 : i1 to i32
      %cond3A_185 = arith.constant 0 : i32
      %cond3A_186 = arith.cmpi ne, %convert_element_type3A_184, %cond3A_185 : i32
      scf.if %cond3A_186 {
        %dma_start3A_535 = arith.constant 0 : i32
        %dma_start3A_536 = tpu.memref_slice %arg5[%add3A_177, %dma_start3A_535] : memref<50x128xi32, #tpu.memory_space<vmem>> -> memref<1x128xi32, #tpu.memory_space<vmem>>
        %dma_start3A_537 = tpu.memref_squeeze %dma_start3A_536 : memref<1x128xi32, #tpu.memory_space<vmem>> -> memref<128xi32, #tpu.memory_space<vmem>>
        %dma_start3A_538 = arith.constant 0 : i32
        %dma_start3A_539 = tpu.memref_slice %dma_start3A_537[%dma_start3A_538] : memref<128xi32, #tpu.memory_space<vmem>> -> memref<64xi32, #tpu.memory_space<vmem>>
        %dma_start3A_540 = arith.constant 0 : i32
        %dma_start3A_541 = arith.constant 0 : i32
        %dma_start3A_542 = tpu.memref_slice %arg3[%dma_start3A_540, %dma_start3A_541] : memref<4101x256xf32, #tpu.memory_space<hbm>> -> memref<4101x256xf32, #tpu.memory_space<hbm>>
        tpu.enqueue_indirect_dma source(%dma_start3A_542 : memref<4101x256xf32, #tpu.memory_space<hbm>>) target(%arg10 : memref<64x256xf32, #tpu.memory_space<vmem>>) offsets(%dma_start3A_539 : memref<64xi32, #tpu.memory_space<vmem>>) semaphore(%arg15 : memref<!tpu.dma_semaphore, #tpu.memory_space<semaphore_mem>>)
      } else {
      }
      %gt3A_187 = arith.constant 0 : i32
      %gt3A_188 = arith.cmpi sgt, %scan3A_107, %gt3A_187 : i32
      %convert_element_type3A_189 = arith.extui %gt3A_188 : i1 to i32
      %cond3A_190 = arith.constant 0 : i32
      %cond3A_191 = arith.cmpi ne, %convert_element_type3A_189, %cond3A_190 : i32
      scf.if %cond3A_191 {
        %add3A_535 = arith.constant 64 : i32
        %add3A_536 = arith.addi %mul3A_2, %add3A_535 : i32
        %dma_wait3A_537 = arith.constant 0 : i32
        %dma_wait3A_538 = arith.constant 0 : i32
        %dma_wait3A_539 = tpu.memref_slice %arg4[%add3A_181, %dma_wait3A_537, %dma_wait3A_538] : memref<50x4096x256xf32, #tpu.memory_space<hbm>> -> memref<1x4096x256xf32, #tpu.memory_space<hbm>>
        %dma_wait3A_540 = tpu.memref_squeeze %dma_wait3A_539 : memref<1x4096x256xf32, #tpu.memory_space<hbm>> -> memref<4096x256xf32, #tpu.memory_space<hbm>>
        %dma_wait3A_541 = arith.constant 0 : i32
        %dma_wait3A_542 = tpu.memref_slice %dma_wait3A_540[%add3A_536, %dma_wait3A_541] : memref<4096x256xf32, #tpu.memory_space<hbm>> -> memref<64x256xf32, #tpu.memory_space<hbm>>
        %dma_wait3A_543 = arith.constant 0 : i32
        %dma_wait3A_544 = arith.constant 0 : i32
        %dma_wait3A_545 = tpu.memref_slice %arg4[%add3A_181, %dma_wait3A_543, %dma_wait3A_544] : memref<50x4096x256xf32, #tpu.memory_space<hbm>> -> memref<1x4096x256xf32, #tpu.memory_space<hbm>>
        %dma_wait3A_546 = tpu.memref_squeeze %dma_wait3A_545 : memref<1x4096x256xf32, #tpu.memory_space<hbm>> -> memref<4096x256xf32, #tpu.memory_space<hbm>>
        %dma_wait3A_547 = arith.constant 0 : i32
        %dma_wait3A_548 = tpu.memref_slice %dma_wait3A_546[%add3A_536, %dma_wait3A_547] : memref<4096x256xf32, #tpu.memory_space<hbm>> -> memref<64x256xf32, #tpu.memory_space<hbm>>
        tpu.wait_dma2 semaphore(%arg20 : memref<!tpu.dma_semaphore, #tpu.memory_space<semaphore_mem>>) src(%arg10 : memref<64x256xf32, #tpu.memory_space<vmem>>) dst(%dma_wait3A_548 : memref<64x256xf32, #tpu.memory_space<hbm>>)
        %dma_start3A_549 = arith.constant 0 : i32
        %dma_start3A_550 = tpu.memref_slice %arg5[%add3A_177, %dma_start3A_549] : memref<50x128xi32, #tpu.memory_space<vmem>> -> memref<1x128xi32, #tpu.memory_space<vmem>>
        %dma_start3A_551 = tpu.memref_squeeze %dma_start3A_550 : memref<1x128xi32, #tpu.memory_space<vmem>> -> memref<128xi32, #tpu.memory_space<vmem>>
        %dma_start3A_552 = arith.constant 0 : i32
        %dma_start3A_553 = tpu.memref_slice %dma_start3A_551[%dma_start3A_552] : memref<128xi32, #tpu.memory_space<vmem>> -> memref<64xi32, #tpu.memory_space<vmem>>
        %dma_start3A_554 = arith.constant 0 : i32
        %dma_start3A_555 = arith.constant 0 : i32
        %dma_start3A_556 = tpu.memref_slice %arg3[%dma_start3A_554, %dma_start3A_555] : memref<4101x256xf32, #tpu.memory_space<hbm>> -> memref<4101x256xf32, #tpu.memory_space<hbm>>
        tpu.enqueue_indirect_dma source(%dma_start3A_556 : memref<4101x256xf32, #tpu.memory_space<hbm>>) target(%arg10 : memref<64x256xf32, #tpu.memory_space<vmem>>) offsets(%dma_start3A_553 : memref<64xi32, #tpu.memory_space<vmem>>) semaphore(%arg15 : memref<!tpu.dma_semaphore, #tpu.memory_space<semaphore_mem>>)
      } else {
      }
      %mul3A_192 = arith.constant 5 : i32
      %mul3A_193 = arith.muli %mul3A_192, %scan3A_107 : i32
      %add3A_194 = arith.constant 1 : i32
      %add3A_195 = arith.addi %mul3A_193, %add3A_194 : i32
      %dma_wait3A_196 = arith.constant 0 : i32
      %dma_wait3A_197 = tpu.memref_slice %arg5[%add3A_195, %dma_wait3A_196] : memref<50x128xi32, #tpu.memory_space<vmem>> -> memref<1x128xi32, #tpu.memory_space<vmem>>
      %dma_wait3A_198 = tpu.memref_squeeze %dma_wait3A_197 : memref<1x128xi32, #tpu.memory_space<vmem>> -> memref<128xi32, #tpu.memory_space<vmem>>
      %dma_wait3A_199 = arith.constant 0 : i32
      %dma_wait3A_200 = tpu.memref_slice %dma_wait3A_198[%dma_wait3A_199] : memref<128xi32, #tpu.memory_space<vmem>> -> memref<64xi32, #tpu.memory_space<vmem>>
      %dma_wait3A_201 = arith.constant 0 : i32
      %dma_wait3A_202 = arith.constant 0 : i32
      %dma_wait3A_203 = tpu.memref_slice %arg3[%dma_wait3A_201, %dma_wait3A_202] : memref<4101x256xf32, #tpu.memory_space<hbm>> -> memref<4101x256xf32, #tpu.memory_space<hbm>>
      tpu.wait_indirect_dma semaphore(%arg13 : memref<!tpu.dma_semaphore, #tpu.memory_space<semaphore_mem>>) src(%dma_wait3A_203 : memref<4101x256xf32, #tpu.memory_space<hbm>>) dst(%arg8 : memref<64x256xf32, #tpu.memory_space<vmem>>)
      %add3A_204 = arith.constant 0 : i32
      %add3A_205 = arith.addi %mul3A_2, %add3A_204 : i32
      %dma_start3A_206 = arith.constant 0 : i32
      %dma_start3A_207 = arith.constant 0 : i32
      %dma_start3A_208 = tpu.memref_slice %arg4[%add3A_195, %dma_start3A_206, %dma_start3A_207] : memref<50x4096x256xf32, #tpu.memory_space<hbm>> -> memref<1x4096x256xf32, #tpu.memory_space<hbm>>
      %dma_start3A_209 = tpu.memref_squeeze %dma_start3A_208 : memref<1x4096x256xf32, #tpu.memory_space<hbm>> -> memref<4096x256xf32, #tpu.memory_space<hbm>>
      %dma_start3A_210 = arith.constant 0 : i32
      %dma_start3A_211 = tpu.memref_slice %dma_start3A_209[%add3A_205, %dma_start3A_210] : memref<4096x256xf32, #tpu.memory_space<hbm>> -> memref<64x256xf32, #tpu.memory_space<hbm>>
      %dma_start3A_212 = arith.constant 0 : i32
      %dma_start3A_213 = arith.constant 0 : i32
      %dma_start3A_214 = tpu.memref_slice %arg4[%add3A_195, %dma_start3A_212, %dma_start3A_213] : memref<50x4096x256xf32, #tpu.memory_space<hbm>> -> memref<1x4096x256xf32, #tpu.memory_space<hbm>>
      %dma_start3A_215 = tpu.memref_squeeze %dma_start3A_214 : memref<1x4096x256xf32, #tpu.memory_space<hbm>> -> memref<4096x256xf32, #tpu.memory_space<hbm>>
      %dma_start3A_216 = arith.constant 0 : i32
      %dma_start3A_217 = tpu.memref_slice %dma_start3A_215[%add3A_205, %dma_start3A_216] : memref<4096x256xf32, #tpu.memory_space<hbm>> -> memref<64x256xf32, #tpu.memory_space<hbm>>
      tpu.enqueue_dma source(%arg8 : memref<64x256xf32, #tpu.memory_space<vmem>>) target(%dma_start3A_217 : memref<64x256xf32, #tpu.memory_space<hbm>>) target_semaphore(%arg18 : memref<!tpu.dma_semaphore, #tpu.memory_space<semaphore_mem>>)
      %mul3A_218 = arith.constant 5 : i32
      %mul3A_219 = arith.muli %mul3A_218, %scan3A_107 : i32
      %add3A_220 = arith.constant 2 : i32
      %add3A_221 = arith.addi %mul3A_219, %add3A_220 : i32
      %mul3A_222 = arith.constant 5 : i32
      %mul3A_223 = arith.muli %mul3A_222, %scan3A_107 : i32
      %add3A_224 = arith.constant 0 : i32
      %add3A_225 = arith.addi %mul3A_223, %add3A_224 : i32
      %mul3A_226 = arith.constant 2 : i32
      %mul3A_227 = arith.muli %mul3A_226, %add3A_221 : i32
      %add3A_228 = arith.constant 1 : i32
      %add3A_229 = arith.addi %mul3A_227, %add3A_228 : i32
      %lt3A = arith.constant 100 : i32
      %lt3A_230 = arith.cmpi slt, %add3A_229, %lt3A : i32
      %convert_element_type3A_231 = arith.extui %lt3A_230 : i1 to i32
      %cond3A_232 = arith.constant 0 : i32
      %cond3A_233 = arith.cmpi ne, %convert_element_type3A_231, %cond3A_232 : i32
      scf.if %cond3A_233 {
        %add3A_535 = arith.constant 0 : i32
        %add3A_536 = arith.addi %mul3A_2, %add3A_535 : i32
        %dma_wait3A_537 = arith.constant 0 : i32
        %dma_wait3A_538 = arith.constant 0 : i32
        %dma_wait3A_539 = tpu.memref_slice %arg4[%add3A_225, %dma_wait3A_537, %dma_wait3A_538] : memref<50x4096x256xf32, #tpu.memory_space<hbm>> -> memref<1x4096x256xf32, #tpu.memory_space<hbm>>
        %dma_wait3A_540 = tpu.memref_squeeze %dma_wait3A_539 : memref<1x4096x256xf32, #tpu.memory_space<hbm>> -> memref<4096x256xf32, #tpu.memory_space<hbm>>
        %dma_wait3A_541 = arith.constant 0 : i32
        %dma_wait3A_542 = tpu.memref_slice %dma_wait3A_540[%add3A_536, %dma_wait3A_541] : memref<4096x256xf32, #tpu.memory_space<hbm>> -> memref<64x256xf32, #tpu.memory_space<hbm>>
        %dma_wait3A_543 = arith.constant 0 : i32
        %dma_wait3A_544 = arith.constant 0 : i32
        %dma_wait3A_545 = tpu.memref_slice %arg4[%add3A_225, %dma_wait3A_543, %dma_wait3A_544] : memref<50x4096x256xf32, #tpu.memory_space<hbm>> -> memref<1x4096x256xf32, #tpu.memory_space<hbm>>
        %dma_wait3A_546 = tpu.memref_squeeze %dma_wait3A_545 : memref<1x4096x256xf32, #tpu.memory_space<hbm>> -> memref<4096x256xf32, #tpu.memory_space<hbm>>
        %dma_wait3A_547 = arith.constant 0 : i32
        %dma_wait3A_548 = tpu.memref_slice %dma_wait3A_546[%add3A_536, %dma_wait3A_547] : memref<4096x256xf32, #tpu.memory_space<hbm>> -> memref<64x256xf32, #tpu.memory_space<hbm>>
        tpu.wait_dma2 semaphore(%arg16 : memref<!tpu.dma_semaphore, #tpu.memory_space<semaphore_mem>>) src(%arg6 : memref<64x256xf32, #tpu.memory_space<vmem>>) dst(%dma_wait3A_548 : memref<64x256xf32, #tpu.memory_space<hbm>>)
        %dma_start3A_549 = arith.constant 0 : i32
        %dma_start3A_550 = tpu.memref_slice %arg5[%add3A_221, %dma_start3A_549] : memref<50x128xi32, #tpu.memory_space<vmem>> -> memref<1x128xi32, #tpu.memory_space<vmem>>
        %dma_start3A_551 = tpu.memref_squeeze %dma_start3A_550 : memref<1x128xi32, #tpu.memory_space<vmem>> -> memref<128xi32, #tpu.memory_space<vmem>>
        %dma_start3A_552 = arith.constant 64 : i32
        %dma_start3A_553 = tpu.memref_slice %dma_start3A_551[%dma_start3A_552] : memref<128xi32, #tpu.memory_space<vmem>> -> memref<64xi32, #tpu.memory_space<vmem>>
        %dma_start3A_554 = arith.constant 0 : i32
        %dma_start3A_555 = arith.constant 0 : i32
        %dma_start3A_556 = tpu.memref_slice %arg3[%dma_start3A_554, %dma_start3A_555] : memref<4101x256xf32, #tpu.memory_space<hbm>> -> memref<4101x256xf32, #tpu.memory_space<hbm>>
        tpu.enqueue_indirect_dma source(%dma_start3A_556 : memref<4101x256xf32, #tpu.memory_space<hbm>>) target(%arg6 : memref<64x256xf32, #tpu.memory_space<vmem>>) offsets(%dma_start3A_553 : memref<64xi32, #tpu.memory_space<vmem>>) semaphore(%arg11 : memref<!tpu.dma_semaphore, #tpu.memory_space<semaphore_mem>>)
      } else {
      }
      %mul3A_234 = arith.constant 5 : i32
      %mul3A_235 = arith.muli %mul3A_234, %scan3A_107 : i32
      %add3A_236 = arith.constant 1 : i32
      %add3A_237 = arith.addi %mul3A_235, %add3A_236 : i32
      %dma_wait3A_238 = arith.constant 0 : i32
      %dma_wait3A_239 = tpu.memref_slice %arg5[%add3A_237, %dma_wait3A_238] : memref<50x128xi32, #tpu.memory_space<vmem>> -> memref<1x128xi32, #tpu.memory_space<vmem>>
      %dma_wait3A_240 = tpu.memref_squeeze %dma_wait3A_239 : memref<1x128xi32, #tpu.memory_space<vmem>> -> memref<128xi32, #tpu.memory_space<vmem>>
      %dma_wait3A_241 = arith.constant 64 : i32
      %dma_wait3A_242 = tpu.memref_slice %dma_wait3A_240[%dma_wait3A_241] : memref<128xi32, #tpu.memory_space<vmem>> -> memref<64xi32, #tpu.memory_space<vmem>>
      %dma_wait3A_243 = arith.constant 0 : i32
      %dma_wait3A_244 = arith.constant 0 : i32
      %dma_wait3A_245 = tpu.memref_slice %arg3[%dma_wait3A_243, %dma_wait3A_244] : memref<4101x256xf32, #tpu.memory_space<hbm>> -> memref<4101x256xf32, #tpu.memory_space<hbm>>
      tpu.wait_indirect_dma semaphore(%arg14 : memref<!tpu.dma_semaphore, #tpu.memory_space<semaphore_mem>>) src(%dma_wait3A_245 : memref<4101x256xf32, #tpu.memory_space<hbm>>) dst(%arg9 : memref<64x256xf32, #tpu.memory_space<vmem>>)
      %add3A_246 = arith.constant 64 : i32
      %add3A_247 = arith.addi %mul3A_2, %add3A_246 : i32
      %dma_start3A_248 = arith.constant 0 : i32
      %dma_start3A_249 = arith.constant 0 : i32
      %dma_start3A_250 = tpu.memref_slice %arg4[%add3A_237, %dma_start3A_248, %dma_start3A_249] : memref<50x4096x256xf32, #tpu.memory_space<hbm>> -> memref<1x4096x256xf32, #tpu.memory_space<hbm>>
      %dma_start3A_251 = tpu.memref_squeeze %dma_start3A_250 : memref<1x4096x256xf32, #tpu.memory_space<hbm>> -> memref<4096x256xf32, #tpu.memory_space<hbm>>
      %dma_start3A_252 = arith.constant 0 : i32
      %dma_start3A_253 = tpu.memref_slice %dma_start3A_251[%add3A_247, %dma_start3A_252] : memref<4096x256xf32, #tpu.memory_space<hbm>> -> memref<64x256xf32, #tpu.memory_space<hbm>>
      %dma_start3A_254 = arith.constant 0 : i32
      %dma_start3A_255 = arith.constant 0 : i32
      %dma_start3A_256 = tpu.memref_slice %arg4[%add3A_237, %dma_start3A_254, %dma_start3A_255] : memref<50x4096x256xf32, #tpu.memory_space<hbm>> -> memref<1x4096x256xf32, #tpu.memory_space<hbm>>
      %dma_start3A_257 = tpu.memref_squeeze %dma_start3A_256 : memref<1x4096x256xf32, #tpu.memory_space<hbm>> -> memref<4096x256xf32, #tpu.memory_space<hbm>>
      %dma_start3A_258 = arith.constant 0 : i32
      %dma_start3A_259 = tpu.memref_slice %dma_start3A_257[%add3A_247, %dma_start3A_258] : memref<4096x256xf32, #tpu.memory_space<hbm>> -> memref<64x256xf32, #tpu.memory_space<hbm>>
      tpu.enqueue_dma source(%arg9 : memref<64x256xf32, #tpu.memory_space<vmem>>) target(%dma_start3A_259 : memref<64x256xf32, #tpu.memory_space<hbm>>) target_semaphore(%arg19 : memref<!tpu.dma_semaphore, #tpu.memory_space<semaphore_mem>>)
      %mul3A_260 = arith.constant 5 : i32
      %mul3A_261 = arith.muli %mul3A_260, %scan3A_107 : i32
      %add3A_262 = arith.constant 3 : i32
      %add3A_263 = arith.addi %mul3A_261, %add3A_262 : i32
      %mul3A_264 = arith.constant 5 : i32
      %mul3A_265 = arith.muli %mul3A_264, %scan3A_107 : i32
      %add3A_266 = arith.constant 0 : i32
      %add3A_267 = arith.addi %mul3A_265, %add3A_266 : i32
      %mul3A_268 = arith.constant 2 : i32
      %mul3A_269 = arith.muli %mul3A_268, %add3A_263 : i32
      %add3A_270 = arith.constant 0 : i32
      %add3A_271 = arith.addi %mul3A_269, %add3A_270 : i32
      %lt3A_272 = arith.constant 100 : i32
      %lt3A_273 = arith.cmpi slt, %add3A_271, %lt3A_272 : i32
      %convert_element_type3A_274 = arith.extui %lt3A_273 : i1 to i32
      %cond3A_275 = arith.constant 0 : i32
      %cond3A_276 = arith.cmpi ne, %convert_element_type3A_274, %cond3A_275 : i32
      scf.if %cond3A_276 {
        %add3A_535 = arith.constant 64 : i32
        %add3A_536 = arith.addi %mul3A_2, %add3A_535 : i32
        %dma_wait3A_537 = arith.constant 0 : i32
        %dma_wait3A_538 = arith.constant 0 : i32
        %dma_wait3A_539 = tpu.memref_slice %arg4[%add3A_267, %dma_wait3A_537, %dma_wait3A_538] : memref<50x4096x256xf32, #tpu.memory_space<hbm>> -> memref<1x4096x256xf32, #tpu.memory_space<hbm>>
        %dma_wait3A_540 = tpu.memref_squeeze %dma_wait3A_539 : memref<1x4096x256xf32, #tpu.memory_space<hbm>> -> memref<4096x256xf32, #tpu.memory_space<hbm>>
        %dma_wait3A_541 = arith.constant 0 : i32
        %dma_wait3A_542 = tpu.memref_slice %dma_wait3A_540[%add3A_536, %dma_wait3A_541] : memref<4096x256xf32, #tpu.memory_space<hbm>> -> memref<64x256xf32, #tpu.memory_space<hbm>>
        %dma_wait3A_543 = arith.constant 0 : i32
        %dma_wait3A_544 = arith.constant 0 : i32
        %dma_wait3A_545 = tpu.memref_slice %arg4[%add3A_267, %dma_wait3A_543, %dma_wait3A_544] : memref<50x4096x256xf32, #tpu.memory_space<hbm>> -> memref<1x4096x256xf32, #tpu.memory_space<hbm>>
        %dma_wait3A_546 = tpu.memref_squeeze %dma_wait3A_545 : memref<1x4096x256xf32, #tpu.memory_space<hbm>> -> memref<4096x256xf32, #tpu.memory_space<hbm>>
        %dma_wait3A_547 = arith.constant 0 : i32
        %dma_wait3A_548 = tpu.memref_slice %dma_wait3A_546[%add3A_536, %dma_wait3A_547] : memref<4096x256xf32, #tpu.memory_space<hbm>> -> memref<64x256xf32, #tpu.memory_space<hbm>>
        tpu.wait_dma2 semaphore(%arg17 : memref<!tpu.dma_semaphore, #tpu.memory_space<semaphore_mem>>) src(%arg7 : memref<64x256xf32, #tpu.memory_space<vmem>>) dst(%dma_wait3A_548 : memref<64x256xf32, #tpu.memory_space<hbm>>)
        %dma_start3A_549 = arith.constant 0 : i32
        %dma_start3A_550 = tpu.memref_slice %arg5[%add3A_263, %dma_start3A_549] : memref<50x128xi32, #tpu.memory_space<vmem>> -> memref<1x128xi32, #tpu.memory_space<vmem>>
        %dma_start3A_551 = tpu.memref_squeeze %dma_start3A_550 : memref<1x128xi32, #tpu.memory_space<vmem>> -> memref<128xi32, #tpu.memory_space<vmem>>
        %dma_start3A_552 = arith.constant 0 : i32
        %dma_start3A_553 = tpu.memref_slice %dma_start3A_551[%dma_start3A_552] : memref<128xi32, #tpu.memory_space<vmem>> -> memref<64xi32, #tpu.memory_space<vmem>>
        %dma_start3A_554 = arith.constant 0 : i32
        %dma_start3A_555 = arith.constant 0 : i32
        %dma_start3A_556 = tpu.memref_slice %arg3[%dma_start3A_554, %dma_start3A_555] : memref<4101x256xf32, #tpu.memory_space<hbm>> -> memref<4101x256xf32, #tpu.memory_space<hbm>>
        tpu.enqueue_indirect_dma source(%dma_start3A_556 : memref<4101x256xf32, #tpu.memory_space<hbm>>) target(%arg7 : memref<64x256xf32, #tpu.memory_space<vmem>>) offsets(%dma_start3A_553 : memref<64xi32, #tpu.memory_space<vmem>>) semaphore(%arg12 : memref<!tpu.dma_semaphore, #tpu.memory_space<semaphore_mem>>)
      } else {
      }
      %mul3A_277 = arith.constant 5 : i32
      %mul3A_278 = arith.muli %mul3A_277, %scan3A_107 : i32
      %add3A_279 = arith.constant 2 : i32
      %add3A_280 = arith.addi %mul3A_278, %add3A_279 : i32
      %dma_wait3A_281 = arith.constant 0 : i32
      %dma_wait3A_282 = tpu.memref_slice %arg5[%add3A_280, %dma_wait3A_281] : memref<50x128xi32, #tpu.memory_space<vmem>> -> memref<1x128xi32, #tpu.memory_space<vmem>>
      %dma_wait3A_283 = tpu.memref_squeeze %dma_wait3A_282 : memref<1x128xi32, #tpu.memory_space<vmem>> -> memref<128xi32, #tpu.memory_space<vmem>>
      %dma_wait3A_284 = arith.constant 0 : i32
      %dma_wait3A_285 = tpu.memref_slice %dma_wait3A_283[%dma_wait3A_284] : memref<128xi32, #tpu.memory_space<vmem>> -> memref<64xi32, #tpu.memory_space<vmem>>
      %dma_wait3A_286 = arith.constant 0 : i32
      %dma_wait3A_287 = arith.constant 0 : i32
      %dma_wait3A_288 = tpu.memref_slice %arg3[%dma_wait3A_286, %dma_wait3A_287] : memref<4101x256xf32, #tpu.memory_space<hbm>> -> memref<4101x256xf32, #tpu.memory_space<hbm>>
      tpu.wait_indirect_dma semaphore(%arg15 : memref<!tpu.dma_semaphore, #tpu.memory_space<semaphore_mem>>) src(%dma_wait3A_288 : memref<4101x256xf32, #tpu.memory_space<hbm>>) dst(%arg10 : memref<64x256xf32, #tpu.memory_space<vmem>>)
      %add3A_289 = arith.constant 0 : i32
      %add3A_290 = arith.addi %mul3A_2, %add3A_289 : i32
      %dma_start3A_291 = arith.constant 0 : i32
      %dma_start3A_292 = arith.constant 0 : i32
      %dma_start3A_293 = tpu.memref_slice %arg4[%add3A_280, %dma_start3A_291, %dma_start3A_292] : memref<50x4096x256xf32, #tpu.memory_space<hbm>> -> memref<1x4096x256xf32, #tpu.memory_space<hbm>>
      %dma_start3A_294 = tpu.memref_squeeze %dma_start3A_293 : memref<1x4096x256xf32, #tpu.memory_space<hbm>> -> memref<4096x256xf32, #tpu.memory_space<hbm>>
      %dma_start3A_295 = arith.constant 0 : i32
      %dma_start3A_296 = tpu.memref_slice %dma_start3A_294[%add3A_290, %dma_start3A_295] : memref<4096x256xf32, #tpu.memory_space<hbm>> -> memref<64x256xf32, #tpu.memory_space<hbm>>
      %dma_start3A_297 = arith.constant 0 : i32
      %dma_start3A_298 = arith.constant 0 : i32
      %dma_start3A_299 = tpu.memref_slice %arg4[%add3A_280, %dma_start3A_297, %dma_start3A_298] : memref<50x4096x256xf32, #tpu.memory_space<hbm>> -> memref<1x4096x256xf32, #tpu.memory_space<hbm>>
      %dma_start3A_300 = tpu.memref_squeeze %dma_start3A_299 : memref<1x4096x256xf32, #tpu.memory_space<hbm>> -> memref<4096x256xf32, #tpu.memory_space<hbm>>
      %dma_start3A_301 = arith.constant 0 : i32
      %dma_start3A_302 = tpu.memref_slice %dma_start3A_300[%add3A_290, %dma_start3A_301] : memref<4096x256xf32, #tpu.memory_space<hbm>> -> memref<64x256xf32, #tpu.memory_space<hbm>>
      tpu.enqueue_dma source(%arg10 : memref<64x256xf32, #tpu.memory_space<vmem>>) target(%dma_start3A_302 : memref<64x256xf32, #tpu.memory_space<hbm>>) target_semaphore(%arg20 : memref<!tpu.dma_semaphore, #tpu.memory_space<semaphore_mem>>)
      %mul3A_303 = arith.constant 5 : i32
      %mul3A_304 = arith.muli %mul3A_303, %scan3A_107 : i32
      %add3A_305 = arith.constant 3 : i32
      %add3A_306 = arith.addi %mul3A_304, %add3A_305 : i32
      %mul3A_307 = arith.constant 5 : i32
      %mul3A_308 = arith.muli %mul3A_307, %scan3A_107 : i32
      %add3A_309 = arith.constant 1 : i32
      %add3A_310 = arith.addi %mul3A_308, %add3A_309 : i32
      %mul3A_311 = arith.constant 2 : i32
      %mul3A_312 = arith.muli %mul3A_311, %add3A_306 : i32
      %add3A_313 = arith.constant 1 : i32
      %add3A_314 = arith.addi %mul3A_312, %add3A_313 : i32
      %lt3A_315 = arith.constant 100 : i32
      %lt3A_316 = arith.cmpi slt, %add3A_314, %lt3A_315 : i32
      %convert_element_type3A_317 = arith.extui %lt3A_316 : i1 to i32
      %cond3A_318 = arith.constant 0 : i32
      %cond3A_319 = arith.cmpi ne, %convert_element_type3A_317, %cond3A_318 : i32
      scf.if %cond3A_319 {
        %add3A_535 = arith.constant 0 : i32
        %add3A_536 = arith.addi %mul3A_2, %add3A_535 : i32
        %dma_wait3A_537 = arith.constant 0 : i32
        %dma_wait3A_538 = arith.constant 0 : i32
        %dma_wait3A_539 = tpu.memref_slice %arg4[%add3A_310, %dma_wait3A_537, %dma_wait3A_538] : memref<50x4096x256xf32, #tpu.memory_space<hbm>> -> memref<1x4096x256xf32, #tpu.memory_space<hbm>>
        %dma_wait3A_540 = tpu.memref_squeeze %dma_wait3A_539 : memref<1x4096x256xf32, #tpu.memory_space<hbm>> -> memref<4096x256xf32, #tpu.memory_space<hbm>>
        %dma_wait3A_541 = arith.constant 0 : i32
        %dma_wait3A_542 = tpu.memref_slice %dma_wait3A_540[%add3A_536, %dma_wait3A_541] : memref<4096x256xf32, #tpu.memory_space<hbm>> -> memref<64x256xf32, #tpu.memory_space<hbm>>
        %dma_wait3A_543 = arith.constant 0 : i32
        %dma_wait3A_544 = arith.constant 0 : i32
        %dma_wait3A_545 = tpu.memref_slice %arg4[%add3A_310, %dma_wait3A_543, %dma_wait3A_544] : memref<50x4096x256xf32, #tpu.memory_space<hbm>> -> memref<1x4096x256xf32, #tpu.memory_space<hbm>>
        %dma_wait3A_546 = tpu.memref_squeeze %dma_wait3A_545 : memref<1x4096x256xf32, #tpu.memory_space<hbm>> -> memref<4096x256xf32, #tpu.memory_space<hbm>>
        %dma_wait3A_547 = arith.constant 0 : i32
        %dma_wait3A_548 = tpu.memref_slice %dma_wait3A_546[%add3A_536, %dma_wait3A_547] : memref<4096x256xf32, #tpu.memory_space<hbm>> -> memref<64x256xf32, #tpu.memory_space<hbm>>
        tpu.wait_dma2 semaphore(%arg18 : memref<!tpu.dma_semaphore, #tpu.memory_space<semaphore_mem>>) src(%arg8 : memref<64x256xf32, #tpu.memory_space<vmem>>) dst(%dma_wait3A_548 : memref<64x256xf32, #tpu.memory_space<hbm>>)
        %dma_start3A_549 = arith.constant 0 : i32
        %dma_start3A_550 = tpu.memref_slice %arg5[%add3A_306, %dma_start3A_549] : memref<50x128xi32, #tpu.memory_space<vmem>> -> memref<1x128xi32, #tpu.memory_space<vmem>>
        %dma_start3A_551 = tpu.memref_squeeze %dma_start3A_550 : memref<1x128xi32, #tpu.memory_space<vmem>> -> memref<128xi32, #tpu.memory_space<vmem>>
        %dma_start3A_552 = arith.constant 64 : i32
        %dma_start3A_553 = tpu.memref_slice %dma_start3A_551[%dma_start3A_552] : memref<128xi32, #tpu.memory_space<vmem>> -> memref<64xi32, #tpu.memory_space<vmem>>
        %dma_start3A_554 = arith.constant 0 : i32
        %dma_start3A_555 = arith.constant 0 : i32
        %dma_start3A_556 = tpu.memref_slice %arg3[%dma_start3A_554, %dma_start3A_555] : memref<4101x256xf32, #tpu.memory_space<hbm>> -> memref<4101x256xf32, #tpu.memory_space<hbm>>
        tpu.enqueue_indirect_dma source(%dma_start3A_556 : memref<4101x256xf32, #tpu.memory_space<hbm>>) target(%arg8 : memref<64x256xf32, #tpu.memory_space<vmem>>) offsets(%dma_start3A_553 : memref<64xi32, #tpu.memory_space<vmem>>) semaphore(%arg13 : memref<!tpu.dma_semaphore, #tpu.memory_space<semaphore_mem>>)
      } else {
      }
      %mul3A_320 = arith.constant 5 : i32
      %mul3A_321 = arith.muli %mul3A_320, %scan3A_107 : i32
      %add3A_322 = arith.constant 2 : i32
      %add3A_323 = arith.addi %mul3A_321, %add3A_322 : i32
      %dma_wait3A_324 = arith.constant 0 : i32
      %dma_wait3A_325 = tpu.memref_slice %arg5[%add3A_323, %dma_wait3A_324] : memref<50x128xi32, #tpu.memory_space<vmem>> -> memref<1x128xi32, #tpu.memory_space<vmem>>
      %dma_wait3A_326 = tpu.memref_squeeze %dma_wait3A_325 : memref<1x128xi32, #tpu.memory_space<vmem>> -> memref<128xi32, #tpu.memory_space<vmem>>
      %dma_wait3A_327 = arith.constant 64 : i32
      %dma_wait3A_328 = tpu.memref_slice %dma_wait3A_326[%dma_wait3A_327] : memref<128xi32, #tpu.memory_space<vmem>> -> memref<64xi32, #tpu.memory_space<vmem>>
      %dma_wait3A_329 = arith.constant 0 : i32
      %dma_wait3A_330 = arith.constant 0 : i32
      %dma_wait3A_331 = tpu.memref_slice %arg3[%dma_wait3A_329, %dma_wait3A_330] : memref<4101x256xf32, #tpu.memory_space<hbm>> -> memref<4101x256xf32, #tpu.memory_space<hbm>>
      tpu.wait_indirect_dma semaphore(%arg11 : memref<!tpu.dma_semaphore, #tpu.memory_space<semaphore_mem>>) src(%dma_wait3A_331 : memref<4101x256xf32, #tpu.memory_space<hbm>>) dst(%arg6 : memref<64x256xf32, #tpu.memory_space<vmem>>)
      %add3A_332 = arith.constant 64 : i32
      %add3A_333 = arith.addi %mul3A_2, %add3A_332 : i32
      %dma_start3A_334 = arith.constant 0 : i32
      %dma_start3A_335 = arith.constant 0 : i32
      %dma_start3A_336 = tpu.memref_slice %arg4[%add3A_323, %dma_start3A_334, %dma_start3A_335] : memref<50x4096x256xf32, #tpu.memory_space<hbm>> -> memref<1x4096x256xf32, #tpu.memory_space<hbm>>
      %dma_start3A_337 = tpu.memref_squeeze %dma_start3A_336 : memref<1x4096x256xf32, #tpu.memory_space<hbm>> -> memref<4096x256xf32, #tpu.memory_space<hbm>>
      %dma_start3A_338 = arith.constant 0 : i32
      %dma_start3A_339 = tpu.memref_slice %dma_start3A_337[%add3A_333, %dma_start3A_338] : memref<4096x256xf32, #tpu.memory_space<hbm>> -> memref<64x256xf32, #tpu.memory_space<hbm>>
      %dma_start3A_340 = arith.constant 0 : i32
      %dma_start3A_341 = arith.constant 0 : i32
      %dma_start3A_342 = tpu.memref_slice %arg4[%add3A_323, %dma_start3A_340, %dma_start3A_341] : memref<50x4096x256xf32, #tpu.memory_space<hbm>> -> memref<1x4096x256xf32, #tpu.memory_space<hbm>>
      %dma_start3A_343 = tpu.memref_squeeze %dma_start3A_342 : memref<1x4096x256xf32, #tpu.memory_space<hbm>> -> memref<4096x256xf32, #tpu.memory_space<hbm>>
      %dma_start3A_344 = arith.constant 0 : i32
      %dma_start3A_345 = tpu.memref_slice %dma_start3A_343[%add3A_333, %dma_start3A_344] : memref<4096x256xf32, #tpu.memory_space<hbm>> -> memref<64x256xf32, #tpu.memory_space<hbm>>
      tpu.enqueue_dma source(%arg6 : memref<64x256xf32, #tpu.memory_space<vmem>>) target(%dma_start3A_345 : memref<64x256xf32, #tpu.memory_space<hbm>>) target_semaphore(%arg16 : memref<!tpu.dma_semaphore, #tpu.memory_space<semaphore_mem>>)
      %mul3A_346 = arith.constant 5 : i32
      %mul3A_347 = arith.muli %mul3A_346, %scan3A_107 : i32
      %add3A_348 = arith.constant 4 : i32
      %add3A_349 = arith.addi %mul3A_347, %add3A_348 : i32
      %mul3A_350 = arith.constant 5 : i32
      %mul3A_351 = arith.muli %mul3A_350, %scan3A_107 : i32
      %add3A_352 = arith.constant 1 : i32
      %add3A_353 = arith.addi %mul3A_351, %add3A_352 : i32
      %mul3A_354 = arith.constant 2 : i32
      %mul3A_355 = arith.muli %mul3A_354, %add3A_349 : i32
      %add3A_356 = arith.constant 0 : i32
      %add3A_357 = arith.addi %mul3A_355, %add3A_356 : i32
      %lt3A_358 = arith.constant 100 : i32
      %lt3A_359 = arith.cmpi slt, %add3A_357, %lt3A_358 : i32
      %convert_element_type3A_360 = arith.extui %lt3A_359 : i1 to i32
      %cond3A_361 = arith.constant 0 : i32
      %cond3A_362 = arith.cmpi ne, %convert_element_type3A_360, %cond3A_361 : i32
      scf.if %cond3A_362 {
        %add3A_535 = arith.constant 64 : i32
        %add3A_536 = arith.addi %mul3A_2, %add3A_535 : i32
        %dma_wait3A_537 = arith.constant 0 : i32
        %dma_wait3A_538 = arith.constant 0 : i32
        %dma_wait3A_539 = tpu.memref_slice %arg4[%add3A_353, %dma_wait3A_537, %dma_wait3A_538] : memref<50x4096x256xf32, #tpu.memory_space<hbm>> -> memref<1x4096x256xf32, #tpu.memory_space<hbm>>
        %dma_wait3A_540 = tpu.memref_squeeze %dma_wait3A_539 : memref<1x4096x256xf32, #tpu.memory_space<hbm>> -> memref<4096x256xf32, #tpu.memory_space<hbm>>
        %dma_wait3A_541 = arith.constant 0 : i32
        %dma_wait3A_542 = tpu.memref_slice %dma_wait3A_540[%add3A_536, %dma_wait3A_541] : memref<4096x256xf32, #tpu.memory_space<hbm>> -> memref<64x256xf32, #tpu.memory_space<hbm>>
        %dma_wait3A_543 = arith.constant 0 : i32
        %dma_wait3A_544 = arith.constant 0 : i32
        %dma_wait3A_545 = tpu.memref_slice %arg4[%add3A_353, %dma_wait3A_543, %dma_wait3A_544] : memref<50x4096x256xf32, #tpu.memory_space<hbm>> -> memref<1x4096x256xf32, #tpu.memory_space<hbm>>
        %dma_wait3A_546 = tpu.memref_squeeze %dma_wait3A_545 : memref<1x4096x256xf32, #tpu.memory_space<hbm>> -> memref<4096x256xf32, #tpu.memory_space<hbm>>
        %dma_wait3A_547 = arith.constant 0 : i32
        %dma_wait3A_548 = tpu.memref_slice %dma_wait3A_546[%add3A_536, %dma_wait3A_547] : memref<4096x256xf32, #tpu.memory_space<hbm>> -> memref<64x256xf32, #tpu.memory_space<hbm>>
        tpu.wait_dma2 semaphore(%arg19 : memref<!tpu.dma_semaphore, #tpu.memory_space<semaphore_mem>>) src(%arg9 : memref<64x256xf32, #tpu.memory_space<vmem>>) dst(%dma_wait3A_548 : memref<64x256xf32, #tpu.memory_space<hbm>>)
        %dma_start3A_549 = arith.constant 0 : i32
        %dma_start3A_550 = tpu.memref_slice %arg5[%add3A_349, %dma_start3A_549] : memref<50x128xi32, #tpu.memory_space<vmem>> -> memref<1x128xi32, #tpu.memory_space<vmem>>
        %dma_start3A_551 = tpu.memref_squeeze %dma_start3A_550 : memref<1x128xi32, #tpu.memory_space<vmem>> -> memref<128xi32, #tpu.memory_space<vmem>>
        %dma_start3A_552 = arith.constant 0 : i32
        %dma_start3A_553 = tpu.memref_slice %dma_start3A_551[%dma_start3A_552] : memref<128xi32, #tpu.memory_space<vmem>> -> memref<64xi32, #tpu.memory_space<vmem>>
        %dma_start3A_554 = arith.constant 0 : i32
        %dma_start3A_555 = arith.constant 0 : i32
        %dma_start3A_556 = tpu.memref_slice %arg3[%dma_start3A_554, %dma_start3A_555] : memref<4101x256xf32, #tpu.memory_space<hbm>> -> memref<4101x256xf32, #tpu.memory_space<hbm>>
        tpu.enqueue_indirect_dma source(%dma_start3A_556 : memref<4101x256xf32, #tpu.memory_space<hbm>>) target(%arg9 : memref<64x256xf32, #tpu.memory_space<vmem>>) offsets(%dma_start3A_553 : memref<64xi32, #tpu.memory_space<vmem>>) semaphore(%arg14 : memref<!tpu.dma_semaphore, #tpu.memory_space<semaphore_mem>>)
      } else {
      }
      %mul3A_363 = arith.constant 5 : i32
      %mul3A_364 = arith.muli %mul3A_363, %scan3A_107 : i32
      %add3A_365 = arith.constant 3 : i32
      %add3A_366 = arith.addi %mul3A_364, %add3A_365 : i32
      %dma_wait3A_367 = arith.constant 0 : i32
      %dma_wait3A_368 = tpu.memref_slice %arg5[%add3A_366, %dma_wait3A_367] : memref<50x128xi32, #tpu.memory_space<vmem>> -> memref<1x128xi32, #tpu.memory_space<vmem>>
      %dma_wait3A_369 = tpu.memref_squeeze %dma_wait3A_368 : memref<1x128xi32, #tpu.memory_space<vmem>> -> memref<128xi32, #tpu.memory_space<vmem>>
      %dma_wait3A_370 = arith.constant 0 : i32
      %dma_wait3A_371 = tpu.memref_slice %dma_wait3A_369[%dma_wait3A_370] : memref<128xi32, #tpu.memory_space<vmem>> -> memref<64xi32, #tpu.memory_space<vmem>>
      %dma_wait3A_372 = arith.constant 0 : i32
      %dma_wait3A_373 = arith.constant 0 : i32
      %dma_wait3A_374 = tpu.memref_slice %arg3[%dma_wait3A_372, %dma_wait3A_373] : memref<4101x256xf32, #tpu.memory_space<hbm>> -> memref<4101x256xf32, #tpu.memory_space<hbm>>
      tpu.wait_indirect_dma semaphore(%arg12 : memref<!tpu.dma_semaphore, #tpu.memory_space<semaphore_mem>>) src(%dma_wait3A_374 : memref<4101x256xf32, #tpu.memory_space<hbm>>) dst(%arg7 : memref<64x256xf32, #tpu.memory_space<vmem>>)
      %add3A_375 = arith.constant 0 : i32
      %add3A_376 = arith.addi %mul3A_2, %add3A_375 : i32
      %dma_start3A_377 = arith.constant 0 : i32
      %dma_start3A_378 = arith.constant 0 : i32
      %dma_start3A_379 = tpu.memref_slice %arg4[%add3A_366, %dma_start3A_377, %dma_start3A_378] : memref<50x4096x256xf32, #tpu.memory_space<hbm>> -> memref<1x4096x256xf32, #tpu.memory_space<hbm>>
      %dma_start3A_380 = tpu.memref_squeeze %dma_start3A_379 : memref<1x4096x256xf32, #tpu.memory_space<hbm>> -> memref<4096x256xf32, #tpu.memory_space<hbm>>
      %dma_start3A_381 = arith.constant 0 : i32
      %dma_start3A_382 = tpu.memref_slice %dma_start3A_380[%add3A_376, %dma_start3A_381] : memref<4096x256xf32, #tpu.memory_space<hbm>> -> memref<64x256xf32, #tpu.memory_space<hbm>>
      %dma_start3A_383 = arith.constant 0 : i32
      %dma_start3A_384 = arith.constant 0 : i32
      %dma_start3A_385 = tpu.memref_slice %arg4[%add3A_366, %dma_start3A_383, %dma_start3A_384] : memref<50x4096x256xf32, #tpu.memory_space<hbm>> -> memref<1x4096x256xf32, #tpu.memory_space<hbm>>
      %dma_start3A_386 = tpu.memref_squeeze %dma_start3A_385 : memref<1x4096x256xf32, #tpu.memory_space<hbm>> -> memref<4096x256xf32, #tpu.memory_space<hbm>>
      %dma_start3A_387 = arith.constant 0 : i32
      %dma_start3A_388 = tpu.memref_slice %dma_start3A_386[%add3A_376, %dma_start3A_387] : memref<4096x256xf32, #tpu.memory_space<hbm>> -> memref<64x256xf32, #tpu.memory_space<hbm>>
      tpu.enqueue_dma source(%arg7 : memref<64x256xf32, #tpu.memory_space<vmem>>) target(%dma_start3A_388 : memref<64x256xf32, #tpu.memory_space<hbm>>) target_semaphore(%arg17 : memref<!tpu.dma_semaphore, #tpu.memory_space<semaphore_mem>>)
      %mul3A_389 = arith.constant 5 : i32
      %mul3A_390 = arith.muli %mul3A_389, %scan3A_107 : i32
      %add3A_391 = arith.constant 4 : i32
      %add3A_392 = arith.addi %mul3A_390, %add3A_391 : i32
      %mul3A_393 = arith.constant 5 : i32
      %mul3A_394 = arith.muli %mul3A_393, %scan3A_107 : i32
      %add3A_395 = arith.constant 2 : i32
      %add3A_396 = arith.addi %mul3A_394, %add3A_395 : i32
      %mul3A_397 = arith.constant 2 : i32
      %mul3A_398 = arith.muli %mul3A_397, %add3A_392 : i32
      %add3A_399 = arith.constant 1 : i32
      %add3A_400 = arith.addi %mul3A_398, %add3A_399 : i32
      %lt3A_401 = arith.constant 100 : i32
      %lt3A_402 = arith.cmpi slt, %add3A_400, %lt3A_401 : i32
      %convert_element_type3A_403 = arith.extui %lt3A_402 : i1 to i32
      %cond3A_404 = arith.constant 0 : i32
      %cond3A_405 = arith.cmpi ne, %convert_element_type3A_403, %cond3A_404 : i32
      scf.if %cond3A_405 {
        %add3A_535 = arith.constant 0 : i32
        %add3A_536 = arith.addi %mul3A_2, %add3A_535 : i32
        %dma_wait3A_537 = arith.constant 0 : i32
        %dma_wait3A_538 = arith.constant 0 : i32
        %dma_wait3A_539 = tpu.memref_slice %arg4[%add3A_396, %dma_wait3A_537, %dma_wait3A_538] : memref<50x4096x256xf32, #tpu.memory_space<hbm>> -> memref<1x4096x256xf32, #tpu.memory_space<hbm>>
        %dma_wait3A_540 = tpu.memref_squeeze %dma_wait3A_539 : memref<1x4096x256xf32, #tpu.memory_space<hbm>> -> memref<4096x256xf32, #tpu.memory_space<hbm>>
        %dma_wait3A_541 = arith.constant 0 : i32
        %dma_wait3A_542 = tpu.memref_slice %dma_wait3A_540[%add3A_536, %dma_wait3A_541] : memref<4096x256xf32, #tpu.memory_space<hbm>> -> memref<64x256xf32, #tpu.memory_space<hbm>>
        %dma_wait3A_543 = arith.constant 0 : i32
        %dma_wait3A_544 = arith.constant 0 : i32
        %dma_wait3A_545 = tpu.memref_slice %arg4[%add3A_396, %dma_wait3A_543, %dma_wait3A_544] : memref<50x4096x256xf32, #tpu.memory_space<hbm>> -> memref<1x4096x256xf32, #tpu.memory_space<hbm>>
        %dma_wait3A_546 = tpu.memref_squeeze %dma_wait3A_545 : memref<1x4096x256xf32, #tpu.memory_space<hbm>> -> memref<4096x256xf32, #tpu.memory_space<hbm>>
        %dma_wait3A_547 = arith.constant 0 : i32
        %dma_wait3A_548 = tpu.memref_slice %dma_wait3A_546[%add3A_536, %dma_wait3A_547] : memref<4096x256xf32, #tpu.memory_space<hbm>> -> memref<64x256xf32, #tpu.memory_space<hbm>>
        tpu.wait_dma2 semaphore(%arg20 : memref<!tpu.dma_semaphore, #tpu.memory_space<semaphore_mem>>) src(%arg10 : memref<64x256xf32, #tpu.memory_space<vmem>>) dst(%dma_wait3A_548 : memref<64x256xf32, #tpu.memory_space<hbm>>)
        %dma_start3A_549 = arith.constant 0 : i32
        %dma_start3A_550 = tpu.memref_slice %arg5[%add3A_392, %dma_start3A_549] : memref<50x128xi32, #tpu.memory_space<vmem>> -> memref<1x128xi32, #tpu.memory_space<vmem>>
        %dma_start3A_551 = tpu.memref_squeeze %dma_start3A_550 : memref<1x128xi32, #tpu.memory_space<vmem>> -> memref<128xi32, #tpu.memory_space<vmem>>
        %dma_start3A_552 = arith.constant 64 : i32
        %dma_start3A_553 = tpu.memref_slice %dma_start3A_551[%dma_start3A_552] : memref<128xi32, #tpu.memory_space<vmem>> -> memref<64xi32, #tpu.memory_space<vmem>>
        %dma_start3A_554 = arith.constant 0 : i32
        %dma_start3A_555 = arith.constant 0 : i32
        %dma_start3A_556 = tpu.memref_slice %arg3[%dma_start3A_554, %dma_start3A_555] : memref<4101x256xf32, #tpu.memory_space<hbm>> -> memref<4101x256xf32, #tpu.memory_space<hbm>>
        tpu.enqueue_indirect_dma source(%dma_start3A_556 : memref<4101x256xf32, #tpu.memory_space<hbm>>) target(%arg10 : memref<64x256xf32, #tpu.memory_space<vmem>>) offsets(%dma_start3A_553 : memref<64xi32, #tpu.memory_space<vmem>>) semaphore(%arg15 : memref<!tpu.dma_semaphore, #tpu.memory_space<semaphore_mem>>)
      } else {
      }
      %mul3A_406 = arith.constant 5 : i32
      %mul3A_407 = arith.muli %mul3A_406, %scan3A_107 : i32
      %add3A_408 = arith.constant 3 : i32
      %add3A_409 = arith.addi %mul3A_407, %add3A_408 : i32
      %dma_wait3A_410 = arith.constant 0 : i32
      %dma_wait3A_411 = tpu.memref_slice %arg5[%add3A_409, %dma_wait3A_410] : memref<50x128xi32, #tpu.memory_space<vmem>> -> memref<1x128xi32, #tpu.memory_space<vmem>>
      %dma_wait3A_412 = tpu.memref_squeeze %dma_wait3A_411 : memref<1x128xi32, #tpu.memory_space<vmem>> -> memref<128xi32, #tpu.memory_space<vmem>>
      %dma_wait3A_413 = arith.constant 64 : i32
      %dma_wait3A_414 = tpu.memref_slice %dma_wait3A_412[%dma_wait3A_413] : memref<128xi32, #tpu.memory_space<vmem>> -> memref<64xi32, #tpu.memory_space<vmem>>
      %dma_wait3A_415 = arith.constant 0 : i32
      %dma_wait3A_416 = arith.constant 0 : i32
      %dma_wait3A_417 = tpu.memref_slice %arg3[%dma_wait3A_415, %dma_wait3A_416] : memref<4101x256xf32, #tpu.memory_space<hbm>> -> memref<4101x256xf32, #tpu.memory_space<hbm>>
      tpu.wait_indirect_dma semaphore(%arg13 : memref<!tpu.dma_semaphore, #tpu.memory_space<semaphore_mem>>) src(%dma_wait3A_417 : memref<4101x256xf32, #tpu.memory_space<hbm>>) dst(%arg8 : memref<64x256xf32, #tpu.memory_space<vmem>>)
      %add3A_418 = arith.constant 64 : i32
      %add3A_419 = arith.addi %mul3A_2, %add3A_418 : i32
      %dma_start3A_420 = arith.constant 0 : i32
      %dma_start3A_421 = arith.constant 0 : i32
      %dma_start3A_422 = tpu.memref_slice %arg4[%add3A_409, %dma_start3A_420, %dma_start3A_421] : memref<50x4096x256xf32, #tpu.memory_space<hbm>> -> memref<1x4096x256xf32, #tpu.memory_space<hbm>>
      %dma_start3A_423 = tpu.memref_squeeze %dma_start3A_422 : memref<1x4096x256xf32, #tpu.memory_space<hbm>> -> memref<4096x256xf32, #tpu.memory_space<hbm>>
      %dma_start3A_424 = arith.constant 0 : i32
      %dma_start3A_425 = tpu.memref_slice %dma_start3A_423[%add3A_419, %dma_start3A_424] : memref<4096x256xf32, #tpu.memory_space<hbm>> -> memref<64x256xf32, #tpu.memory_space<hbm>>
      %dma_start3A_426 = arith.constant 0 : i32
      %dma_start3A_427 = arith.constant 0 : i32
      %dma_start3A_428 = tpu.memref_slice %arg4[%add3A_409, %dma_start3A_426, %dma_start3A_427] : memref<50x4096x256xf32, #tpu.memory_space<hbm>> -> memref<1x4096x256xf32, #tpu.memory_space<hbm>>
      %dma_start3A_429 = tpu.memref_squeeze %dma_start3A_428 : memref<1x4096x256xf32, #tpu.memory_space<hbm>> -> memref<4096x256xf32, #tpu.memory_space<hbm>>
      %dma_start3A_430 = arith.constant 0 : i32
      %dma_start3A_431 = tpu.memref_slice %dma_start3A_429[%add3A_419, %dma_start3A_430] : memref<4096x256xf32, #tpu.memory_space<hbm>> -> memref<64x256xf32, #tpu.memory_space<hbm>>
      tpu.enqueue_dma source(%arg8 : memref<64x256xf32, #tpu.memory_space<vmem>>) target(%dma_start3A_431 : memref<64x256xf32, #tpu.memory_space<hbm>>) target_semaphore(%arg18 : memref<!tpu.dma_semaphore, #tpu.memory_space<semaphore_mem>>)
      %mul3A_432 = arith.constant 5 : i32
      %mul3A_433 = arith.muli %mul3A_432, %scan3A_107 : i32
      %add3A_434 = arith.constant 5 : i32
      %add3A_435 = arith.addi %mul3A_433, %add3A_434 : i32
      %mul3A_436 = arith.constant 5 : i32
      %mul3A_437 = arith.muli %mul3A_436, %scan3A_107 : i32
      %add3A_438 = arith.constant 2 : i32
      %add3A_439 = arith.addi %mul3A_437, %add3A_438 : i32
      %mul3A_440 = arith.constant 2 : i32
      %mul3A_441 = arith.muli %mul3A_440, %add3A_435 : i32
      %add3A_442 = arith.constant 0 : i32
      %add3A_443 = arith.addi %mul3A_441, %add3A_442 : i32
      %lt3A_444 = arith.constant 100 : i32
      %lt3A_445 = arith.cmpi slt, %add3A_443, %lt3A_444 : i32
      %convert_element_type3A_446 = arith.extui %lt3A_445 : i1 to i32
      %cond3A_447 = arith.constant 0 : i32
      %cond3A_448 = arith.cmpi ne, %convert_element_type3A_446, %cond3A_447 : i32
      scf.if %cond3A_448 {
        %add3A_535 = arith.constant 64 : i32
        %add3A_536 = arith.addi %mul3A_2, %add3A_535 : i32
        %dma_wait3A_537 = arith.constant 0 : i32
        %dma_wait3A_538 = arith.constant 0 : i32
        %dma_wait3A_539 = tpu.memref_slice %arg4[%add3A_439, %dma_wait3A_537, %dma_wait3A_538] : memref<50x4096x256xf32, #tpu.memory_space<hbm>> -> memref<1x4096x256xf32, #tpu.memory_space<hbm>>
        %dma_wait3A_540 = tpu.memref_squeeze %dma_wait3A_539 : memref<1x4096x256xf32, #tpu.memory_space<hbm>> -> memref<4096x256xf32, #tpu.memory_space<hbm>>
        %dma_wait3A_541 = arith.constant 0 : i32
        %dma_wait3A_542 = tpu.memref_slice %dma_wait3A_540[%add3A_536, %dma_wait3A_541] : memref<4096x256xf32, #tpu.memory_space<hbm>> -> memref<64x256xf32, #tpu.memory_space<hbm>>
        %dma_wait3A_543 = arith.constant 0 : i32
        %dma_wait3A_544 = arith.constant 0 : i32
        %dma_wait3A_545 = tpu.memref_slice %arg4[%add3A_439, %dma_wait3A_543, %dma_wait3A_544] : memref<50x4096x256xf32, #tpu.memory_space<hbm>> -> memref<1x4096x256xf32, #tpu.memory_space<hbm>>
        %dma_wait3A_546 = tpu.memref_squeeze %dma_wait3A_545 : memref<1x4096x256xf32, #tpu.memory_space<hbm>> -> memref<4096x256xf32, #tpu.memory_space<hbm>>
        %dma_wait3A_547 = arith.constant 0 : i32
        %dma_wait3A_548 = tpu.memref_slice %dma_wait3A_546[%add3A_536, %dma_wait3A_547] : memref<4096x256xf32, #tpu.memory_space<hbm>> -> memref<64x256xf32, #tpu.memory_space<hbm>>
        tpu.wait_dma2 semaphore(%arg16 : memref<!tpu.dma_semaphore, #tpu.memory_space<semaphore_mem>>) src(%arg6 : memref<64x256xf32, #tpu.memory_space<vmem>>) dst(%dma_wait3A_548 : memref<64x256xf32, #tpu.memory_space<hbm>>)
        %dma_start3A_549 = arith.constant 0 : i32
        %dma_start3A_550 = tpu.memref_slice %arg5[%add3A_435, %dma_start3A_549] : memref<50x128xi32, #tpu.memory_space<vmem>> -> memref<1x128xi32, #tpu.memory_space<vmem>>
        %dma_start3A_551 = tpu.memref_squeeze %dma_start3A_550 : memref<1x128xi32, #tpu.memory_space<vmem>> -> memref<128xi32, #tpu.memory_space<vmem>>
        %dma_start3A_552 = arith.constant 0 : i32
        %dma_start3A_553 = tpu.memref_slice %dma_start3A_551[%dma_start3A_552] : memref<128xi32, #tpu.memory_space<vmem>> -> memref<64xi32, #tpu.memory_space<vmem>>
        %dma_start3A_554 = arith.constant 0 : i32
        %dma_start3A_555 = arith.constant 0 : i32
        %dma_start3A_556 = tpu.memref_slice %arg3[%dma_start3A_554, %dma_start3A_555] : memref<4101x256xf32, #tpu.memory_space<hbm>> -> memref<4101x256xf32, #tpu.memory_space<hbm>>
        tpu.enqueue_indirect_dma source(%dma_start3A_556 : memref<4101x256xf32, #tpu.memory_space<hbm>>) target(%arg6 : memref<64x256xf32, #tpu.memory_space<vmem>>) offsets(%dma_start3A_553 : memref<64xi32, #tpu.memory_space<vmem>>) semaphore(%arg11 : memref<!tpu.dma_semaphore, #tpu.memory_space<semaphore_mem>>)
      } else {
      }
      %mul3A_449 = arith.constant 5 : i32
      %mul3A_450 = arith.muli %mul3A_449, %scan3A_107 : i32
      %add3A_451 = arith.constant 4 : i32
      %add3A_452 = arith.addi %mul3A_450, %add3A_451 : i32
      %dma_wait3A_453 = arith.constant 0 : i32
      %dma_wait3A_454 = tpu.memref_slice %arg5[%add3A_452, %dma_wait3A_453] : memref<50x128xi32, #tpu.memory_space<vmem>> -> memref<1x128xi32, #tpu.memory_space<vmem>>
      %dma_wait3A_455 = tpu.memref_squeeze %dma_wait3A_454 : memref<1x128xi32, #tpu.memory_space<vmem>> -> memref<128xi32, #tpu.memory_space<vmem>>
      %dma_wait3A_456 = arith.constant 0 : i32
      %dma_wait3A_457 = tpu.memref_slice %dma_wait3A_455[%dma_wait3A_456] : memref<128xi32, #tpu.memory_space<vmem>> -> memref<64xi32, #tpu.memory_space<vmem>>
      %dma_wait3A_458 = arith.constant 0 : i32
      %dma_wait3A_459 = arith.constant 0 : i32
      %dma_wait3A_460 = tpu.memref_slice %arg3[%dma_wait3A_458, %dma_wait3A_459] : memref<4101x256xf32, #tpu.memory_space<hbm>> -> memref<4101x256xf32, #tpu.memory_space<hbm>>
      tpu.wait_indirect_dma semaphore(%arg14 : memref<!tpu.dma_semaphore, #tpu.memory_space<semaphore_mem>>) src(%dma_wait3A_460 : memref<4101x256xf32, #tpu.memory_space<hbm>>) dst(%arg9 : memref<64x256xf32, #tpu.memory_space<vmem>>)
      %add3A_461 = arith.constant 0 : i32
      %add3A_462 = arith.addi %mul3A_2, %add3A_461 : i32
      %dma_start3A_463 = arith.constant 0 : i32
      %dma_start3A_464 = arith.constant 0 : i32
      %dma_start3A_465 = tpu.memref_slice %arg4[%add3A_452, %dma_start3A_463, %dma_start3A_464] : memref<50x4096x256xf32, #tpu.memory_space<hbm>> -> memref<1x4096x256xf32, #tpu.memory_space<hbm>>
      %dma_start3A_466 = tpu.memref_squeeze %dma_start3A_465 : memref<1x4096x256xf32, #tpu.memory_space<hbm>> -> memref<4096x256xf32, #tpu.memory_space<hbm>>
      %dma_start3A_467 = arith.constant 0 : i32
      %dma_start3A_468 = tpu.memref_slice %dma_start3A_466[%add3A_462, %dma_start3A_467] : memref<4096x256xf32, #tpu.memory_space<hbm>> -> memref<64x256xf32, #tpu.memory_space<hbm>>
      %dma_start3A_469 = arith.constant 0 : i32
      %dma_start3A_470 = arith.constant 0 : i32
      %dma_start3A_471 = tpu.memref_slice %arg4[%add3A_452, %dma_start3A_469, %dma_start3A_470] : memref<50x4096x256xf32, #tpu.memory_space<hbm>> -> memref<1x4096x256xf32, #tpu.memory_space<hbm>>
      %dma_start3A_472 = tpu.memref_squeeze %dma_start3A_471 : memref<1x4096x256xf32, #tpu.memory_space<hbm>> -> memref<4096x256xf32, #tpu.memory_space<hbm>>
      %dma_start3A_473 = arith.constant 0 : i32
      %dma_start3A_474 = tpu.memref_slice %dma_start3A_472[%add3A_462, %dma_start3A_473] : memref<4096x256xf32, #tpu.memory_space<hbm>> -> memref<64x256xf32, #tpu.memory_space<hbm>>
      tpu.enqueue_dma source(%arg9 : memref<64x256xf32, #tpu.memory_space<vmem>>) target(%dma_start3A_474 : memref<64x256xf32, #tpu.memory_space<hbm>>) target_semaphore(%arg19 : memref<!tpu.dma_semaphore, #tpu.memory_space<semaphore_mem>>)
      %mul3A_475 = arith.constant 5 : i32
      %mul3A_476 = arith.muli %mul3A_475, %scan3A_107 : i32
      %add3A_477 = arith.constant 5 : i32
      %add3A_478 = arith.addi %mul3A_476, %add3A_477 : i32
      %mul3A_479 = arith.constant 5 : i32
      %mul3A_480 = arith.muli %mul3A_479, %scan3A_107 : i32
      %add3A_481 = arith.constant 3 : i32
      %add3A_482 = arith.addi %mul3A_480, %add3A_481 : i32
      %mul3A_483 = arith.constant 2 : i32
      %mul3A_484 = arith.muli %mul3A_483, %add3A_478 : i32
      %add3A_485 = arith.constant 1 : i32
      %add3A_486 = arith.addi %mul3A_484, %add3A_485 : i32
      %lt3A_487 = arith.constant 100 : i32
      %lt3A_488 = arith.cmpi slt, %add3A_486, %lt3A_487 : i32
      %convert_element_type3A_489 = arith.extui %lt3A_488 : i1 to i32
      %cond3A_490 = arith.constant 0 : i32
      %cond3A_491 = arith.cmpi ne, %convert_element_type3A_489, %cond3A_490 : i32
      scf.if %cond3A_491 {
        %add3A_535 = arith.constant 0 : i32
        %add3A_536 = arith.addi %mul3A_2, %add3A_535 : i32
        %dma_wait3A_537 = arith.constant 0 : i32
        %dma_wait3A_538 = arith.constant 0 : i32
        %dma_wait3A_539 = tpu.memref_slice %arg4[%add3A_482, %dma_wait3A_537, %dma_wait3A_538] : memref<50x4096x256xf32, #tpu.memory_space<hbm>> -> memref<1x4096x256xf32, #tpu.memory_space<hbm>>
        %dma_wait3A_540 = tpu.memref_squeeze %dma_wait3A_539 : memref<1x4096x256xf32, #tpu.memory_space<hbm>> -> memref<4096x256xf32, #tpu.memory_space<hbm>>
        %dma_wait3A_541 = arith.constant 0 : i32
        %dma_wait3A_542 = tpu.memref_slice %dma_wait3A_540[%add3A_536, %dma_wait3A_541] : memref<4096x256xf32, #tpu.memory_space<hbm>> -> memref<64x256xf32, #tpu.memory_space<hbm>>
        %dma_wait3A_543 = arith.constant 0 : i32
        %dma_wait3A_544 = arith.constant 0 : i32
        %dma_wait3A_545 = tpu.memref_slice %arg4[%add3A_482, %dma_wait3A_543, %dma_wait3A_544] : memref<50x4096x256xf32, #tpu.memory_space<hbm>> -> memref<1x4096x256xf32, #tpu.memory_space<hbm>>
        %dma_wait3A_546 = tpu.memref_squeeze %dma_wait3A_545 : memref<1x4096x256xf32, #tpu.memory_space<hbm>> -> memref<4096x256xf32, #tpu.memory_space<hbm>>
        %dma_wait3A_547 = arith.constant 0 : i32
        %dma_wait3A_548 = tpu.memref_slice %dma_wait3A_546[%add3A_536, %dma_wait3A_547] : memref<4096x256xf32, #tpu.memory_space<hbm>> -> memref<64x256xf32, #tpu.memory_space<hbm>>
        tpu.wait_dma2 semaphore(%arg17 : memref<!tpu.dma_semaphore, #tpu.memory_space<semaphore_mem>>) src(%arg7 : memref<64x256xf32, #tpu.memory_space<vmem>>) dst(%dma_wait3A_548 : memref<64x256xf32, #tpu.memory_space<hbm>>)
        %dma_start3A_549 = arith.constant 0 : i32
        %dma_start3A_550 = tpu.memref_slice %arg5[%add3A_478, %dma_start3A_549] : memref<50x128xi32, #tpu.memory_space<vmem>> -> memref<1x128xi32, #tpu.memory_space<vmem>>
        %dma_start3A_551 = tpu.memref_squeeze %dma_start3A_550 : memref<1x128xi32, #tpu.memory_space<vmem>> -> memref<128xi32, #tpu.memory_space<vmem>>
        %dma_start3A_552 = arith.constant 64 : i32
        %dma_start3A_553 = tpu.memref_slice %dma_start3A_551[%dma_start3A_552] : memref<128xi32, #tpu.memory_space<vmem>> -> memref<64xi32, #tpu.memory_space<vmem>>
        %dma_start3A_554 = arith.constant 0 : i32
        %dma_start3A_555 = arith.constant 0 : i32
        %dma_start3A_556 = tpu.memref_slice %arg3[%dma_start3A_554, %dma_start3A_555] : memref<4101x256xf32, #tpu.memory_space<hbm>> -> memref<4101x256xf32, #tpu.memory_space<hbm>>
        tpu.enqueue_indirect_dma source(%dma_start3A_556 : memref<4101x256xf32, #tpu.memory_space<hbm>>) target(%arg7 : memref<64x256xf32, #tpu.memory_space<vmem>>) offsets(%dma_start3A_553 : memref<64xi32, #tpu.memory_space<vmem>>) semaphore(%arg12 : memref<!tpu.dma_semaphore, #tpu.memory_space<semaphore_mem>>)
      } else {
      }
      %mul3A_492 = arith.constant 5 : i32
      %mul3A_493 = arith.muli %mul3A_492, %scan3A_107 : i32
      %add3A_494 = arith.constant 4 : i32
      %add3A_495 = arith.addi %mul3A_493, %add3A_494 : i32
      %dma_wait3A_496 = arith.constant 0 : i32
      %dma_wait3A_497 = tpu.memref_slice %arg5[%add3A_495, %dma_wait3A_496] : memref<50x128xi32, #tpu.memory_space<vmem>> -> memref<1x128xi32, #tpu.memory_space<vmem>>
      %dma_wait3A_498 = tpu.memref_squeeze %dma_wait3A_497 : memref<1x128xi32, #tpu.memory_space<vmem>> -> memref<128xi32, #tpu.memory_space<vmem>>
      %dma_wait3A_499 = arith.constant 64 : i32
      %dma_wait3A_500 = tpu.memref_slice %dma_wait3A_498[%dma_wait3A_499] : memref<128xi32, #tpu.memory_space<vmem>> -> memref<64xi32, #tpu.memory_space<vmem>>
      %dma_wait3A_501 = arith.constant 0 : i32
      %dma_wait3A_502 = arith.constant 0 : i32
      %dma_wait3A_503 = tpu.memref_slice %arg3[%dma_wait3A_501, %dma_wait3A_502] : memref<4101x256xf32, #tpu.memory_space<hbm>> -> memref<4101x256xf32, #tpu.memory_space<hbm>>
      tpu.wait_indirect_dma semaphore(%arg15 : memref<!tpu.dma_semaphore, #tpu.memory_space<semaphore_mem>>) src(%dma_wait3A_503 : memref<4101x256xf32, #tpu.memory_space<hbm>>) dst(%arg10 : memref<64x256xf32, #tpu.memory_space<vmem>>)
      %add3A_504 = arith.constant 64 : i32
      %add3A_505 = arith.addi %mul3A_2, %add3A_504 : i32
      %dma_start3A_506 = arith.constant 0 : i32
      %dma_start3A_507 = arith.constant 0 : i32
      %dma_start3A_508 = tpu.memref_slice %arg4[%add3A_495, %dma_start3A_506, %dma_start3A_507] : memref<50x4096x256xf32, #tpu.memory_space<hbm>> -> memref<1x4096x256xf32, #tpu.memory_space<hbm>>
      %dma_start3A_509 = tpu.memref_squeeze %dma_start3A_508 : memref<1x4096x256xf32, #tpu.memory_space<hbm>> -> memref<4096x256xf32, #tpu.memory_space<hbm>>
      %dma_start3A_510 = arith.constant 0 : i32
      %dma_start3A_511 = tpu.memref_slice %dma_start3A_509[%add3A_505, %dma_start3A_510] : memref<4096x256xf32, #tpu.memory_space<hbm>> -> memref<64x256xf32, #tpu.memory_space<hbm>>
      %dma_start3A_512 = arith.constant 0 : i32
      %dma_start3A_513 = arith.constant 0 : i32
      %dma_start3A_514 = tpu.memref_slice %arg4[%add3A_495, %dma_start3A_512, %dma_start3A_513] : memref<50x4096x256xf32, #tpu.memory_space<hbm>> -> memref<1x4096x256xf32, #tpu.memory_space<hbm>>
      %dma_start3A_515 = tpu.memref_squeeze %dma_start3A_514 : memref<1x4096x256xf32, #tpu.memory_space<hbm>> -> memref<4096x256xf32, #tpu.memory_space<hbm>>
      %dma_start3A_516 = arith.constant 0 : i32
      %dma_start3A_517 = tpu.memref_slice %dma_start3A_515[%add3A_505, %dma_start3A_516] : memref<4096x256xf32, #tpu.memory_space<hbm>> -> memref<64x256xf32, #tpu.memory_space<hbm>>
      tpu.enqueue_dma source(%arg10 : memref<64x256xf32, #tpu.memory_space<vmem>>) target(%dma_start3A_517 : memref<64x256xf32, #tpu.memory_space<hbm>>) target_semaphore(%arg20 : memref<!tpu.dma_semaphore, #tpu.memory_space<semaphore_mem>>)
      %mul3A_518 = arith.constant 5 : i32
      %mul3A_519 = arith.muli %mul3A_518, %scan3A_107 : i32
      %add3A_520 = arith.constant 6 : i32
      %add3A_521 = arith.addi %mul3A_519, %add3A_520 : i32
      %mul3A_522 = arith.constant 5 : i32
      %mul3A_523 = arith.muli %mul3A_522, %scan3A_107 : i32
      %add3A_524 = arith.constant 3 : i32
      %add3A_525 = arith.addi %mul3A_523, %add3A_524 : i32
      %mul3A_526 = arith.constant 2 : i32
      %mul3A_527 = arith.muli %mul3A_526, %add3A_521 : i32
      %add3A_528 = arith.constant 0 : i32
      %add3A_529 = arith.addi %mul3A_527, %add3A_528 : i32
      %lt3A_530 = arith.constant 100 : i32
      %lt3A_531 = arith.cmpi slt, %add3A_529, %lt3A_530 : i32
      %convert_element_type3A_532 = arith.extui %lt3A_531 : i1 to i32
      %cond3A_533 = arith.constant 0 : i32
      %cond3A_534 = arith.cmpi ne, %convert_element_type3A_532, %cond3A_533 : i32
      scf.if %cond3A_534 {
        %add3A_535 = arith.constant 64 : i32
        %add3A_536 = arith.addi %mul3A_2, %add3A_535 : i32
        %dma_wait3A_537 = arith.constant 0 : i32
        %dma_wait3A_538 = arith.constant 0 : i32
        %dma_wait3A_539 = tpu.memref_slice %arg4[%add3A_525, %dma_wait3A_537, %dma_wait3A_538] : memref<50x4096x256xf32, #tpu.memory_space<hbm>> -> memref<1x4096x256xf32, #tpu.memory_space<hbm>>
        %dma_wait3A_540 = tpu.memref_squeeze %dma_wait3A_539 : memref<1x4096x256xf32, #tpu.memory_space<hbm>> -> memref<4096x256xf32, #tpu.memory_space<hbm>>
        %dma_wait3A_541 = arith.constant 0 : i32
        %dma_wait3A_542 = tpu.memref_slice %dma_wait3A_540[%add3A_536, %dma_wait3A_541] : memref<4096x256xf32, #tpu.memory_space<hbm>> -> memref<64x256xf32, #tpu.memory_space<hbm>>
        %dma_wait3A_543 = arith.constant 0 : i32
        %dma_wait3A_544 = arith.constant 0 : i32
        %dma_wait3A_545 = tpu.memref_slice %arg4[%add3A_525, %dma_wait3A_543, %dma_wait3A_544] : memref<50x4096x256xf32, #tpu.memory_space<hbm>> -> memref<1x4096x256xf32, #tpu.memory_space<hbm>>
        %dma_wait3A_546 = tpu.memref_squeeze %dma_wait3A_545 : memref<1x4096x256xf32, #tpu.memory_space<hbm>> -> memref<4096x256xf32, #tpu.memory_space<hbm>>
        %dma_wait3A_547 = arith.constant 0 : i32
        %dma_wait3A_548 = tpu.memref_slice %dma_wait3A_546[%add3A_536, %dma_wait3A_547] : memref<4096x256xf32, #tpu.memory_space<hbm>> -> memref<64x256xf32, #tpu.memory_space<hbm>>
        tpu.wait_dma2 semaphore(%arg18 : memref<!tpu.dma_semaphore, #tpu.memory_space<semaphore_mem>>) src(%arg8 : memref<64x256xf32, #tpu.memory_space<vmem>>) dst(%dma_wait3A_548 : memref<64x256xf32, #tpu.memory_space<hbm>>)
        %dma_start3A_549 = arith.constant 0 : i32
        %dma_start3A_550 = tpu.memref_slice %arg5[%add3A_521, %dma_start3A_549] : memref<50x128xi32, #tpu.memory_space<vmem>> -> memref<1x128xi32, #tpu.memory_space<vmem>>
        %dma_start3A_551 = tpu.memref_squeeze %dma_start3A_550 : memref<1x128xi32, #tpu.memory_space<vmem>> -> memref<128xi32, #tpu.memory_space<vmem>>
        %dma_start3A_552 = arith.constant 0 : i32
        %dma_start3A_553 = tpu.memref_slice %dma_start3A_551[%dma_start3A_552] : memref<128xi32, #tpu.memory_space<vmem>> -> memref<64xi32, #tpu.memory_space<vmem>>
        %dma_start3A_554 = arith.constant 0 : i32
        %dma_start3A_555 = arith.constant 0 : i32
        %dma_start3A_556 = tpu.memref_slice %arg3[%dma_start3A_554, %dma_start3A_555] : memref<4101x256xf32, #tpu.memory_space<hbm>> -> memref<4101x256xf32, #tpu.memory_space<hbm>>
        tpu.enqueue_indirect_dma source(%dma_start3A_556 : memref<4101x256xf32, #tpu.memory_space<hbm>>) target(%arg8 : memref<64x256xf32, #tpu.memory_space<vmem>>) offsets(%dma_start3A_553 : memref<64xi32, #tpu.memory_space<vmem>>) semaphore(%arg13 : memref<!tpu.dma_semaphore, #tpu.memory_space<semaphore_mem>>)
      } else {
      }
    }
    %scan3A_32 = arith.constant 10 : i32
    %add3A_33 = arith.constant 64 : i32
    %add3A_34 = arith.addi %mul3A_2, %add3A_33 : i32
    %dma_wait3A = arith.constant 47 : i32
    %dma_wait3A_35 = arith.constant 0 : i32
    %dma_wait3A_36 = arith.constant 0 : i32
    %dma_wait3A_37 = tpu.memref_slice %arg4[%dma_wait3A, %dma_wait3A_35, %dma_wait3A_36] : memref<50x4096x256xf32, #tpu.memory_space<hbm>> -> memref<1x4096x256xf32, #tpu.memory_space<hbm>>
    %dma_wait3A_38 = tpu.memref_squeeze %dma_wait3A_37 : memref<1x4096x256xf32, #tpu.memory_space<hbm>> -> memref<4096x256xf32, #tpu.memory_space<hbm>>
    %dma_wait3A_39 = arith.constant 0 : i32
    %dma_wait3A_40 = tpu.memref_slice %dma_wait3A_38[%add3A_34, %dma_wait3A_39] : memref<4096x256xf32, #tpu.memory_space<hbm>> -> memref<64x256xf32, #tpu.memory_space<hbm>>
    %dma_wait3A_41 = arith.constant 0 : i32
    %dma_wait3A_42 = arith.constant 0 : i32
    %dma_wait3A_43 = tpu.memref_slice %arg4[%dma_wait3A, %dma_wait3A_41, %dma_wait3A_42] : memref<50x4096x256xf32, #tpu.memory_space<hbm>> -> memref<1x4096x256xf32, #tpu.memory_space<hbm>>
    %dma_wait3A_44 = tpu.memref_squeeze %dma_wait3A_43 : memref<1x4096x256xf32, #tpu.memory_space<hbm>> -> memref<4096x256xf32, #tpu.memory_space<hbm>>
    %dma_wait3A_45 = arith.constant 0 : i32
    %dma_wait3A_46 = tpu.memref_slice %dma_wait3A_44[%add3A_34, %dma_wait3A_45] : memref<4096x256xf32, #tpu.memory_space<hbm>> -> memref<64x256xf32, #tpu.memory_space<hbm>>
    tpu.wait_dma2 semaphore(%arg16 : memref<!tpu.dma_semaphore, #tpu.memory_space<semaphore_mem>>) src(%arg6 : memref<64x256xf32, #tpu.memory_space<vmem>>) dst(%dma_wait3A_46 : memref<64x256xf32, #tpu.memory_space<hbm>>)
    %add3A_47 = arith.constant 0 : i32
    %add3A_48 = arith.addi %mul3A_2, %add3A_47 : i32
    %dma_wait3A_49 = arith.constant 48 : i32
    %dma_wait3A_50 = arith.constant 0 : i32
    %dma_wait3A_51 = arith.constant 0 : i32
    %dma_wait3A_52 = tpu.memref_slice %arg4[%dma_wait3A_49, %dma_wait3A_50, %dma_wait3A_51] : memref<50x4096x256xf32, #tpu.memory_space<hbm>> -> memref<1x4096x256xf32, #tpu.memory_space<hbm>>
    %dma_wait3A_53 = tpu.memref_squeeze %dma_wait3A_52 : memref<1x4096x256xf32, #tpu.memory_space<hbm>> -> memref<4096x256xf32, #tpu.memory_space<hbm>>
    %dma_wait3A_54 = arith.constant 0 : i32
    %dma_wait3A_55 = tpu.memref_slice %dma_wait3A_53[%add3A_48, %dma_wait3A_54] : memref<4096x256xf32, #tpu.memory_space<hbm>> -> memref<64x256xf32, #tpu.memory_space<hbm>>
    %dma_wait3A_56 = arith.constant 0 : i32
    %dma_wait3A_57 = arith.constant 0 : i32
    %dma_wait3A_58 = tpu.memref_slice %arg4[%dma_wait3A_49, %dma_wait3A_56, %dma_wait3A_57] : memref<50x4096x256xf32, #tpu.memory_space<hbm>> -> memref<1x4096x256xf32, #tpu.memory_space<hbm>>
    %dma_wait3A_59 = tpu.memref_squeeze %dma_wait3A_58 : memref<1x4096x256xf32, #tpu.memory_space<hbm>> -> memref<4096x256xf32, #tpu.memory_space<hbm>>
    %dma_wait3A_60 = arith.constant 0 : i32
    %dma_wait3A_61 = tpu.memref_slice %dma_wait3A_59[%add3A_48, %dma_wait3A_60] : memref<4096x256xf32, #tpu.memory_space<hbm>> -> memref<64x256xf32, #tpu.memory_space<hbm>>
    tpu.wait_dma2 semaphore(%arg17 : memref<!tpu.dma_semaphore, #tpu.memory_space<semaphore_mem>>) src(%arg7 : memref<64x256xf32, #tpu.memory_space<vmem>>) dst(%dma_wait3A_61 : memref<64x256xf32, #tpu.memory_space<hbm>>)
    %add3A_62 = arith.constant 64 : i32
    %add3A_63 = arith.addi %mul3A_2, %add3A_62 : i32
    %dma_wait3A_64 = arith.constant 48 : i32
    %dma_wait3A_65 = arith.constant 0 : i32
    %dma_wait3A_66 = arith.constant 0 : i32
    %dma_wait3A_67 = tpu.memref_slice %arg4[%dma_wait3A_64, %dma_wait3A_65, %dma_wait3A_66] : memref<50x4096x256xf32, #tpu.memory_space<hbm>> -> memref<1x4096x256xf32, #tpu.memory_space<hbm>>
    %dma_wait3A_68 = tpu.memref_squeeze %dma_wait3A_67 : memref<1x4096x256xf32, #tpu.memory_space<hbm>> -> memref<4096x256xf32, #tpu.memory_space<hbm>>
    %dma_wait3A_69 = arith.constant 0 : i32
    %dma_wait3A_70 = tpu.memref_slice %dma_wait3A_68[%add3A_63, %dma_wait3A_69] : memref<4096x256xf32, #tpu.memory_space<hbm>> -> memref<64x256xf32, #tpu.memory_space<hbm>>
    %dma_wait3A_71 = arith.constant 0 : i32
    %dma_wait3A_72 = arith.constant 0 : i32
    %dma_wait3A_73 = tpu.memref_slice %arg4[%dma_wait3A_64, %dma_wait3A_71, %dma_wait3A_72] : memref<50x4096x256xf32, #tpu.memory_space<hbm>> -> memref<1x4096x256xf32, #tpu.memory_space<hbm>>
    %dma_wait3A_74 = tpu.memref_squeeze %dma_wait3A_73 : memref<1x4096x256xf32, #tpu.memory_space<hbm>> -> memref<4096x256xf32, #tpu.memory_space<hbm>>
    %dma_wait3A_75 = arith.constant 0 : i32
    %dma_wait3A_76 = tpu.memref_slice %dma_wait3A_74[%add3A_63, %dma_wait3A_75] : memref<4096x256xf32, #tpu.memory_space<hbm>> -> memref<64x256xf32, #tpu.memory_space<hbm>>
    tpu.wait_dma2 semaphore(%arg18 : memref<!tpu.dma_semaphore, #tpu.memory_space<semaphore_mem>>) src(%arg8 : memref<64x256xf32, #tpu.memory_space<vmem>>) dst(%dma_wait3A_76 : memref<64x256xf32, #tpu.memory_space<hbm>>)
    %add3A_77 = arith.constant 0 : i32
    %add3A_78 = arith.addi %mul3A_2, %add3A_77 : i32
    %dma_wait3A_79 = arith.constant 49 : i32
    %dma_wait3A_80 = arith.constant 0 : i32
    %dma_wait3A_81 = arith.constant 0 : i32
    %dma_wait3A_82 = tpu.memref_slice %arg4[%dma_wait3A_79, %dma_wait3A_80, %dma_wait3A_81] : memref<50x4096x256xf32, #tpu.memory_space<hbm>> -> memref<1x4096x256xf32, #tpu.memory_space<hbm>>
    %dma_wait3A_83 = tpu.memref_squeeze %dma_wait3A_82 : memref<1x4096x256xf32, #tpu.memory_space<hbm>> -> memref<4096x256xf32, #tpu.memory_space<hbm>>
    %dma_wait3A_84 = arith.constant 0 : i32
    %dma_wait3A_85 = tpu.memref_slice %dma_wait3A_83[%add3A_78, %dma_wait3A_84] : memref<4096x256xf32, #tpu.memory_space<hbm>> -> memref<64x256xf32, #tpu.memory_space<hbm>>
    %dma_wait3A_86 = arith.constant 0 : i32
    %dma_wait3A_87 = arith.constant 0 : i32
    %dma_wait3A_88 = tpu.memref_slice %arg4[%dma_wait3A_79, %dma_wait3A_86, %dma_wait3A_87] : memref<50x4096x256xf32, #tpu.memory_space<hbm>> -> memref<1x4096x256xf32, #tpu.memory_space<hbm>>
    %dma_wait3A_89 = tpu.memref_squeeze %dma_wait3A_88 : memref<1x4096x256xf32, #tpu.memory_space<hbm>> -> memref<4096x256xf32, #tpu.memory_space<hbm>>
    %dma_wait3A_90 = arith.constant 0 : i32
    %dma_wait3A_91 = tpu.memref_slice %dma_wait3A_89[%add3A_78, %dma_wait3A_90] : memref<4096x256xf32, #tpu.memory_space<hbm>> -> memref<64x256xf32, #tpu.memory_space<hbm>>
    tpu.wait_dma2 semaphore(%arg19 : memref<!tpu.dma_semaphore, #tpu.memory_space<semaphore_mem>>) src(%arg9 : memref<64x256xf32, #tpu.memory_space<vmem>>) dst(%dma_wait3A_91 : memref<64x256xf32, #tpu.memory_space<hbm>>)
    %add3A_92 = arith.constant 64 : i32
    %add3A_93 = arith.addi %mul3A_2, %add3A_92 : i32
    %dma_wait3A_94 = arith.constant 49 : i32
    %dma_wait3A_95 = arith.constant 0 : i32
    %dma_wait3A_96 = arith.constant 0 : i32
    %dma_wait3A_97 = tpu.memref_slice %arg4[%dma_wait3A_94, %dma_wait3A_95, %dma_wait3A_96] : memref<50x4096x256xf32, #tpu.memory_space<hbm>> -> memref<1x4096x256xf32, #tpu.memory_space<hbm>>
    %dma_wait3A_98 = tpu.memref_squeeze %dma_wait3A_97 : memref<1x4096x256xf32, #tpu.memory_space<hbm>> -> memref<4096x256xf32, #tpu.memory_space<hbm>>
    %dma_wait3A_99 = arith.constant 0 : i32
    %dma_wait3A_100 = tpu.memref_slice %dma_wait3A_98[%add3A_93, %dma_wait3A_99] : memref<4096x256xf32, #tpu.memory_space<hbm>> -> memref<64x256xf32, #tpu.memory_space<hbm>>
    %dma_wait3A_101 = arith.constant 0 : i32
    %dma_wait3A_102 = arith.constant 0 : i32
    %dma_wait3A_103 = tpu.memref_slice %arg4[%dma_wait3A_94, %dma_wait3A_101, %dma_wait3A_102] : memref<50x4096x256xf32, #tpu.memory_space<hbm>> -> memref<1x4096x256xf32, #tpu.memory_space<hbm>>
    %dma_wait3A_104 = tpu.memref_squeeze %dma_wait3A_103 : memref<1x4096x256xf32, #tpu.memory_space<hbm>> -> memref<4096x256xf32, #tpu.memory_space<hbm>>
    %dma_wait3A_105 = arith.constant 0 : i32
    %dma_wait3A_106 = tpu.memref_slice %dma_wait3A_104[%add3A_93, %dma_wait3A_105] : memref<4096x256xf32, #tpu.memory_space<hbm>> -> memref<64x256xf32, #tpu.memory_space<hbm>>
    tpu.wait_dma2 semaphore(%arg20 : memref<!tpu.dma_semaphore, #tpu.memory_space<semaphore_mem>>) src(%arg10 : memref<64x256xf32, #tpu.memory_space<vmem>>) dst(%dma_wait3A_106 : memref<64x256xf32, #tpu.memory_space<hbm>>)
    return
  }
}

</mosaic_0001>

<sc_bundles>
// kernel: kernel.3.cloned.1.call-start
scs
__scs_entry_jumppad:
0x0: {  	(pc) =	sbr.rel $0x88, $3  }
0x1: {  	(tag) =	ssettag $0x0;
	lr =	simm.s32 $0x1  }
0x2: {  	[smem:$0x3F9F] =	sst lr;
	_ =	strace $0xD0000000  }
0x3: {  	_ = 	snop  }
0x4: {  	_ = 	snop  }
0x5: {  	_ = 	snop  }
0x6: {  	_ = 	snop  }
0x7: {  	_ = 	snop  }
__scs_overlays_trampoline_lowered:
0x8: {  	[smem:$0x3FAE] =	sst s0  }
0x9: {  	[smem:$0x3FAF] =	sst s1  }
0xa: {  	[smem:$0x3FB0] =	sst s2  }
0xb: {  	[smem:$0x3FB1] =	sst s3  }
0xc: {  	[smem:$0x3FB2] =	sst s4  }
0xd: {  	[smem:$0x3FB3] =	sst s5  }
0xe: {  	[smem:$0x3FB4] =	sst s6  }
0xf: {  	[smem:$0x3FB5] =	sst s7  }
0x10: {  	[smem:$0x3FB6] =	sst s8  }
0x11: {  	[smem:$0x3FB7] =	sst s9;
	s0 =	simm.s32 @!p0 $0x0  }
0x12: {  	s1 =	sld [smem:$0x3F9D];
	s0 =	simm.s32 @p0 $0x1  }
0x13: {  	[smem:$0x3FB8] =	sst s0;
	s0 =	simm.s32 @!p1 $0x0  }
0x14: {  	s2 =	sld [smem:$0x3F9C];
	s0 =	simm.s32 @p1 $0x1  }
0x15: {  	[smem:$0x3FB9] =	sst s0;
	s0 =	simm.s32 @!p2 $0x0  }
0x16: {  	s3 =	sld [smem:$0x3FDB];
	s0 =	simm.s32 @p2 $0x1  }
0x17: {  	s4 =	simm.s32 $0x1BF5;
	[smem:$0x3FBB] =	sst s0  }
0x18: {  	s0 =	sld [smem:$0x3F9E];
	_ =	swait.ge [sflag:s4], $0x0  }
0x19: {  	s7 =	sld [smem:$0x3F9F]  }
0x1a: {  	s8 =	sadd.s32 $0xFFFFE003, lr  }
0x1b: {  	s9 =	sadd.s32 $0xFFFFFEF7, lr;
	s5 =	simm.s32 $0xFFFFFFFF;
	p2 =	slt.u32 s8, $0xFFFFF086  }
0x1c: {  	p1 =	slt.u32 s9, $0xF7A;
	s5 =	simm.s32 @!p2 $0x0  }
0x1d: {  	s5 =	simm.s32 @p1 $0x1;
	p0 =	seq.s32 s7, s2  }
0x1e: {  	s7 =	smul.u32 @!p0 $0xF7A, s2;
	p2 =	seq.s32 @!p0 s5, $0x0  }
0x1f: {  	s9 =	smul.u32 $0xF7A, s1;
	s8 =	simm.s32 @!p0 $0x1BF5;
	p2 =	por !p2, p0  }
0x20: {  	[sflag:s8] =	ssyncset.s32 @!p0 $0xFFFFF086;
	s6 =	sadd.s32 @!p0 s3, s7;
	s7 =	simm.s32 @!p0 $0x108  }
0x21: {  	s3 =	sadd.s32 s3, s9;
	s6 =	sadd.s32 @!p0 $0x88, s6;
	s7 =	simm.s32 @p2 $0x1082  }
0x22: {  	[simem:s7], [sflag:s8] =	dma.local @!p0 [hbm:s6], $0xF7A  }
0x23: {  	s9 =	sor.u32 $0xD0000000, s2;
	s6 =	simm.s32 $0x108;
	_ =	swait.ge @!p0 [sflag:s8], $0x0  }
0x24: {  	s3 =	sadd.s32 $0x88, s3;
	s6 =	simm.s32 @!p1 $0x1082;
	[sflag:s4] =	ssyncset.s32 $0xFFFFF086  }
0x25: {  	[simem:s6], [sflag:s4] =	dma.local [hbm:s3], $0xF7A  }
0x26: {  	[smem:$0x3F9F] =	sst s1;
	(tag) =	ssettag s2;
	_ =	strace s9  }
0x27: {  	s1 =	sld [smem:$0x3FAF]  }
0x28: {  	s2 =	sld [smem:$0x3FB0]  }
0x29: {  	s4 =	sld [smem:$0x3FB2]  }
0x2a: {  	p0 =	seq.s32 s5, $0x0;
	s5 =	sld [smem:$0x3FB3]  }
0x2b: {  	s6 =	sld [smem:$0x3FB4]  }
0x2c: {  	s7 =	sld [smem:$0x3FB5]  }
0x2d: {  	s3 =	simm.s32 $0x108;
	s8 =	sld [smem:$0x3FB6]  }
0x2e: {  	s3 =	simm.s32 @!p0 $0x1082;
	s9 =	sld [smem:$0x3FB7]  }
0x2f: {  	lr =	sadd.s32 s0, s3;
	s0 =	sld [smem:$0x3FAE]  }
0x30: {  	s3 =	sld [smem:$0x3FB1]  }
0x31: {  	[smem:$0x3FBA] =	sst s10  }
0x32: {  	s10 =	sld [smem:$0x3FB8];
	_ =	sdelay $0x3  }
0x33: {  	p0 =	seq.s32 s10, $0x1;
	s10 =	sld [smem:$0x3FBA];
	_ =	sdelay $0x3  }
0x34: {  	[smem:$0x3FBA] =	sst s10  }
0x35: {  	s10 =	sld [smem:$0x3FB9];
	_ =	sdelay $0x3  }
0x36: {  	p1 =	seq.s32 s10, $0x1;
	s10 =	sld [smem:$0x3FBA];
	_ =	sdelay $0x3  }
0x37: {  	[smem:$0x3FBA] =	sst s10  }
0x38: {  	s10 =	sld [smem:$0x3FBB]  }
0x39: {  	_ = 	snop;
	(pc) =	sbr.ind lr, $3  }
0x3a: {  	_ = 	snop  }
0x3b: {  	_ = 	snop  }
0x3c: {  	p2 =	seq.s32 s10, $0x1;
	s10 =	sld [smem:$0x3FBA]  }
0x3d: {  	_ =	shalt  }
0x3e: {  	_ =	shalt  }
0x3f: {  	_ =	shalt  }
0x40: {  	_ =	shalt  }
0x41: {  	_ =	shalt  }
0x42: {  	_ =	shalt  }
0x43: {  	_ =	shalt  }
0x44: {  	_ =	shalt  }
0x45: {  	_ =	shalt  }
0x46: {  	_ =	shalt  }
0x47: {  	_ =	shalt  }
0x48: {  	_ =	shalt  }
0x49: {  	_ =	shalt  }
0x4a: {  	_ =	shalt  }
0x4b: {  	_ =	shalt  }
0x4c: {  	_ =	shalt  }
0x4d: {  	_ =	shalt  }
0x4e: {  	_ =	shalt  }
0x4f: {  	_ =	shalt  }
0x50: {  	_ =	shalt  }
0x51: {  	_ =	shalt  }
0x52: {  	_ =	shalt  }
0x53: {  	_ =	shalt  }
0x54: {  	_ =	shalt  }
0x55: {  	_ =	shalt  }
0x56: {  	_ =	shalt  }
0x57: {  	_ =	shalt  }
0x58: {  	_ =	shalt  }
0x59: {  	_ =	shalt  }
0x5a: {  	_ =	shalt  }
0x5b: {  	_ =	shalt  }
0x5c: {  	_ =	shalt  }
0x5d: {  	_ =	shalt  }
0x5e: {  	_ =	shalt  }
0x5f: {  	_ =	shalt  }
0x60: {  	_ =	shalt  }
0x61: {  	_ =	shalt  }
0x62: {  	_ =	shalt  }
0x63: {  	_ =	shalt  }
0x64: {  	_ =	shalt  }
0x65: {  	_ =	shalt  }
0x66: {  	_ =	shalt  }
0x67: {  	_ =	shalt  }
0x68: {  	_ =	shalt  }
0x69: {  	_ =	shalt  }
0x6a: {  	_ =	shalt  }
0x6b: {  	_ =	shalt  }
0x6c: {  	_ =	shalt  }
0x6d: {  	_ =	shalt  }
0x6e: {  	_ =	shalt  }
0x6f: {  	_ =	shalt  }
0x70: {  	_ =	shalt  }
0x71: {  	_ =	shalt  }
0x72: {  	_ =	shalt  }
0x73: {  	_ =	shalt  }
0x74: {  	_ =	shalt  }
0x75: {  	_ =	shalt  }
0x76: {  	_ =	shalt  }
0x77: {  	_ =	shalt  }
0x78: {  	_ =	shalt  }
0x79: {  	_ =	shalt  }
0x7a: {  	_ =	shalt  }
0x7b: {  	_ =	shalt  }
0x7c: {  	_ =	shalt  }
0x7d: {  	_ =	shalt  }
0x7e: {  	_ =	shalt  }
0x7f: {  	_ =	shalt  }
0x80: {  	_ =	shalt  }
0x81: {  	_ =	shalt  }
0x82: {  	_ =	shalt  }
0x83: {  	_ =	shalt  }
0x84: {  	_ =	shalt  }
0x85: {  	_ =	shalt  }
0x86: {  	_ =	shalt  }
0x87: {  	_ =	shalt  }
.Lfunc_end0:
.L_simem_size_0:
called_computation_lowered:
.L_overlay_start_0:
0x88: {  	s2 =	sld [smem:$0x3FD9]  }
0x89: {  	s3 =	sld [smem:$0x3FFE];
	_ =	sdelay $0x1  }
0x8a: {  	s1 =	srdreg.scid  }
0x8b: {  	s0 =	sand.u32 $0x1, s1  }
0x8c: {  	s18 =	sshll.u32 s0, $0xA;
	s2 =	sadd.s32 s3, s2  }
0x8d: {  	s2 =	sadd.s32 s2, s18  }
0x8e: {  	[smem:$0x3FC6] =	sst s2  }
0x8f: {  	_ = 	snop  }
0x90: {  	s2 =	sld [smem:$0x3FC9]  }
0x91: {  	s19 =	sld [smem:$0x3FC8]  }
0x92: {  	s4 =	sld [smem:$0x3FD0];
	(tm) =	ssettm $0x1  }
0x93: {  	s5 =	sld [smem:$0x3FFB];
	_ =	sdelay $0x3  }
0x94: {  	_ =	strace s5  }
0x95: {  	s5 =	sld [smem:$0x3FFC];
	_ =	sdelay $0x3  }
0x96: {  	_ =	strace s5  }
0x97: {  	s5 =	sld [smem:$0x3FFD];
	_ =	sdelay $0x3  }
0x98: {  	_ =	strace s5  }
0x99: {  	_ =	strace $0x8FFFFFFF  }
0x9a: {  	s20 =	sld [smem:$0x3FDB];
	_ =	sdelay $0x1  }
0x9b: {  	s6 =	simm.s32 $_scs_section_size  }
0x9c: {  	s7 =	simm.s32 $_size__tile_overlayer_lowered;
	s8 =	simm.s32 $_tile_overlayer_lowered  }
0x9d: {  	s23 =	simm.s32 $0x1BFF;
	s22 =	sshll.u32 s8, $0x1;
	s5 =	sadd.s32 s6, s20  }
0x9e: {  	s9 =	simm.s32 $0x0;
	s21 =	sshll.u32 s7, $0x1;
	s7 =	sadd.s32 s22, s5  }
0x9f: {  	[timem:s9], [sflag:s23] =	dma.local [hbm:s7], s21  }
0xa0: {  	_ =	swait.ge [sflag:s23], s21  }
0xa1: {  	s6 =	ssub.s32 $0x0, s21;
	[sflag:s23] =	ssyncset.done $0x0  }
0xa2: {  	[sflag:s23] =	ssyncadd.s32 s6;
	_ =	sdelay $0x1  }
0xa3: {  	s24 =	simm.s32 $0x1B8B  }
0xa4: {  	_ =	swait.ge [sflag:s24], $0x1  }
0xa5: {  	[sflag:s24] =	ssyncset.done $0x0  }
0xa6: {  	s25 =	simm.s32 $0x1B8E;
	[sflag:s24] =	ssyncadd.s32 $0xFFFFFFFF  }
0xa7: {  	s26 =	simm.s32 $execute0_lowered;
	[smem:$0x3FD2] =	sst s25  }
0xa8: {  	s6 =	sshll.u32 s26, $0x1;
	_ =	strace $0x80000046;
	[dreg:$0x1] =	wrdreg $0xFFFFFFFF  }
0xa9: {  	s28 =	simm.s32 $_size_execute0_lowered;
	s5 =	sadd.s32 s5, s6;
	[dreg:$0x0] =	wrdreg $0x0  }
0xaa: {  	s6 =	sshll.u32 s28, $0x1;
	[dreg:$0x2] =	wrdreg s5  }
0xab: {  	[dreg:$0x3] =	wrdreg s6  }
0xac: {  	[dreg:$0x4] =	wrdreg $0xC0  }
0xad: {  	_ =	task [dreg:s9], $0x5FFFF  }
0xae: {  	[dreg:$0x1] =	wrdreg $0xFFFFFFFF  }
0xaf: {  	[dreg:$0x0] =	wrdreg $0x60  }
0xb0: {  	[dreg:$0x2] =	wrdreg s2  }
0xb1: {  	[dreg:$0x3] =	wrdreg s19  }
0xb2: {  	[dreg:$0x4] =	wrdreg s4  }
0xb3: {  	[dreg:$0x5] =	wrdreg $0x9  }
0xb4: {  	_ =	task.clear_ibuf [dreg:s9], $0x6FFFF;
	_ =	strace $0x90000046  }
0xb5: {  	s29 =	simm.s32 $0x9;
	_ =	strace $0x80000048  }
0xb6: {  	_ =	swait.ge [sflag:s29], $0x1  }
0xb7: {  	[sflag:s29] =	ssyncadd.s32 $0xFFFFFFFF  }
0xb8: {  	_ =	strace $0x90000048  }
0xb9: {  	_ =	sfence  }
0xba: {  	s30 =	sld [smem:$0x0];
	_ =	sdelay $0x2  }
0xbb: {  	s31 =	sshll.u32 s1, $0xD;
	s1 =	sshrl.u32 s1, $0x2  }
0xbc: {  	s3 =	sand.u32 $0x4000, s31;
	s1 =	sadd.s32 s1, s30  }
0xbd: {  	s0 =	sor.u32 s3, s0;
	s1 =	sshll.u32 s1, $0x11  }
0xbe: {  	s0 =	sor.u32 s1, s0  }
0xbf: {  	s0 =	sadd.s32 $0x8F2B, s0  }
0xc0: {  	[sflag:s0] =	ssyncadd.remote.s32 $0x1  }
0xc1: {  	_ =	sfence.sel $0xFFFF  }
0xc2: {  	[dreg:$0x0] =	wrdreg $0xFFFFFFFF;
	(pc) =	sbr.abs _section_cstart, $3  }
0xc3: {  	[dreg:$0x1] =	wrdreg $0xFFFFFFFF  }
0xc4: {  	_ =	task.clear_ibuf [dreg:s9], $0x2FFFF;
	_ =	strace $0x9FFFFFFF  }
0xc5: {  	(tm) =	ssettm $0x7FFFFFFF  }
tec
execute0_lowered:
.L_overlay_start_1:
0x0: {  	(tag) =	ssettag $0x1  }
0x1: {  	s0 =	rddreg [dreg:$0x0]  }
0x2: {  	s2 =	rddreg [dreg:$0x1];
	s1 =	srdreg.scid  }
0x3: {  	s3 =	stileid.u32;
	s4 =	simm.s32 $0x0;
	s14 =	simm.s32 $0x1C00  }
0x4: {  	s22 =	simm.s32 $0x5C00;
	s9 =	simm.s32 $0x6400;
	s10 =	simm.s32 $0x6C00  }
0x5: {  	s11 =	simm.s32 $0x7C00;
	s12 =	simm.s32 $0x8400;
	s13 =	simm.s32 $0x8C00  }
0x6: {  	s16 =	simm.s32 $0x9400;
	s31 =	simm.s32 $0x9C00;
	s17 =	simm.s32 $0xA400  }
0x7: {  	s30 =	simm.s32 $0xAC00;
	s15 =	simm.s32 $0x2;
	s18 =	simm.s32 $0x3  }
0x8: {  	s19 =	simm.s32 $0x6;
	s20 =	simm.s32 $0x4;
	s21 =	simm.s32 $0xDC00  }
0x9: {  	s23 =	simm.s32 $0x7;
	s28 =	simm.s32 $0x9;
	s29 =	simm.s32 $0xA  }
0xa: {  	s1 =	sand.u32 $0x1, s1;
	s3 =	sshll.u32 s3, $0x8;
	[smem:$0x7FF] =	sst s4  }
0xb: {  	s5 =	sshll.u32 s1, $0x7;
	s1 =	ssub.s32 $0x2, s1;
	_ =	strace $0x80000047  }
0xc: {  	s3 =	sor.u32 s5, s3;
	s24 =	sshrl.u32 s1, $0x1;
	s5 =	simm.s32 $0x1  }
.Ltmp0:
0xd: {  	s6 =	sadd.s32 s0, s3;
	s25 =	ssub.s32 s1, s24;
	(pc) =	sbr.rel .LBB2_1-.Ltmp0, $4  }
0xe: {  	s7 =	sshll.u32 s3, $0x5;
	s3 =	simm.s32 $0x7400;
	s24 =	simm.s32 $0x5  }
0xf: {  	v2 =	vlaneseq.u32;
	s1 =	simm.s32 $0x0;
	[dreg:$0x4] =	wrdreg s6;
	s26 =	sadd.s32 $0x6000, s6  }
0x10: {  	vm0 =	vmmov $0xffff;
	v1 =	vshrl.u32 v2, $0x3;
	s8 =	sor.u32 $0x800, s7;
	s0 =	smax.u32 s25, $0x1;
	[dreg:$0x5] =	wrdreg s26  }
0x11: {  	v0 =	vand.u32 $0x7, v2;
	v2 =	vor.u32 $0x8, v2;
	v1 =	vmul.u32 $0x8, v1;
	s25 =	simm.s32 $0x11C00;
	[dreg:$0x6] =	wrdreg s0;
	s26 =	simm.s32 $0x8  }
.LBB2_4:
0x12: {  	_ =	swait.ge [sflag:s24], $0x4000  }
0x13: {  	[sflag:s24] =	ssyncset.done $0x0  }
0x14: {  	[sflag:s24] =	ssyncadd.s32 $0xFFFFC000  }
0x15: {  	[hbm4b:s1+s4] =	stream.linear.scatter [tilespmem:s25], [sflag:$0xA], $0x4000, $0x38;
	[tilespmem:$0x15C00] =	vst v63  }
0x16: {  	_ =	swait.ge [sflag:s19], $0x4000  }
0x17: {  	[sflag:s19] =	ssyncset.done $0x0  }
0x18: {  	[sflag:s19] =	ssyncadd.s32 $0xFFFFC000  }
0x19: {  	_ =	swait.ge [sflag:s23], $0x4000  }
0x1a: {  	[sflag:s23] =	ssyncset.done $0x0  }
0x1b: {  	[sflag:s23] =	ssyncadd.s32 $0xFFFFC000  }
0x1c: {  	_ =	swait.ge [sflag:s26], $0x4000  }
0x1d: {  	[sflag:s26] =	ssyncset.done $0x0  }
0x1e: {  	[sflag:s26] =	ssyncadd.s32 $0xFFFFC000  }
0x1f: {  	_ =	swait.ge [sflag:s28], $0x4000  }
0x20: {  	[sflag:s28] =	ssyncset.done $0x0  }
0x21: {  	[sflag:s28] =	ssyncadd.s32 $0xFFFFC000  }
0x22: {  	_ =	swait.ge [sflag:s29], $0x4000  }
0x23: {  	s17 =	rddreg [dreg:$0x7]  }
0x24: {  	s0 =	rddreg [dreg:$0x6];
	s1 =	sadd.s32 $0x1, s17  }
0x25: {  	p0 =	sne.s32 s1, s0  }
.Ltmp1:
0x26: {  	_ = 	snop;
	(pc) =	sbr.rel @!p0 .LBB2_5-.Ltmp1, $4  }
0x27: {  	s9 =	simm.s32 $0x6400;
	s10 =	simm.s32 $0x6C00  }
0x28: {  	s3 =	simm.s32 $0x7400;
	s11 =	simm.s32 $0x7C00;
	s12 =	simm.s32 $0x8400  }
0x29: {  	s13 =	simm.s32 $0x8C00;
	s16 =	simm.s32 $0x9400;
	[sflag:s29] =	ssyncset.done $0x0  }
0x2a: {  	s30 =	simm.s32 $0xAC00;
	[sflag:s29] =	ssyncadd.s32 $0xFFFFC000;
	s17 =	simm.s32 $0xA400  }
.LBB2_1:
0x2b: {  	[dreg:$0x7] =	wrdreg s1  }
0x2c: {  	s0 =	rddreg [dreg:$0x4];
	s1 =	simm.s32 $0x400;
	s6 =	simm.s32 $0x8000  }
0x2d: {  	[tilespmem:s4], [sflag:$0xB] =	stream.strided.gather [hbm4b:s0+s1], $0x1800, s6, s1, $0x38;
	[tilespmem:$0x15C00] =	vst v63  }
0x2e: {  	s1 =	rddreg [dreg:$0x5];
	s6 =	simm.s32 $0x1800  }
0x2f: {  	[tilespmem:s6], [sflag:$0xB] =	stream.linear.gather [hbm4b:s1+s4], $0x100, $0x38;
	[tilespmem:$0x15C00] =	vst v63  }
0x30: {  	s1 =	simm.s32 $0xB  }
0x31: {  	_ =	swait.ge [sflag:s1], $0x1900  }
0x32: {  	[sflag:s1] =	ssyncset.done $0x0  }
0x33: {  	[sflag:s1] =	ssyncadd.s32 $0xFFFFE700  }
0x34: {  	v3 =	vld [tilespmem:$0x0];
	_ =	sdelay $0x4  }
0x35: {  	v4 =	vshll.u32 v3, $0x1  }
0x36: {  	v3 =	vand.u32 $0x7, v3;
	v4 =	vand.u32 $0xFFFFFFF0, v4  }
0x37: {  	v3 =	vor.u32 v3, v4  }
0x38: {  	v4 =	vperm.xlane v3, v0;
	_ =	sdelay $0x1  }
0x39: {  	v3 =	vperm.xlane v3, v2;
	v4 =	vadd.s32 v1, v4;
	_ =	sdelay $0x1  }
0x3a: {  	v3 =	vadd.s32 v1, v3;
	_ =	sdelay $0x2  }
0x3b: {  	[tilespmem:s14], [sflag:$0x1] =	stream.indirect_vreg.gather [hbm4b:s2+s4], $0x80, v4, vm0, $0xb8;
	[tilespmem:$0x15C00] =	vst v63  }
0x3c: {  	s6 =	simm.s32 $0x2400  }
0x3d: {  	[tilespmem:s6], [sflag:$0x1] =	stream.indirect_vreg.gather [hbm4b:s2+s4], $0x80, v3, vm0, $0xb8;
	[tilespmem:$0x15C00] =	vst v63  }
0x3e: {  	v3 =	vld [tilespmem:$0x10];
	_ =	sdelay $0x4  }
0x3f: {  	v53 =	vshll.u32 v3, $0x1  }
0x40: {  	v3 =	vand.u32 $0x7, v3;
	v4 =	vand.u32 $0xFFFFFFF0, v53  }
0x41: {  	v3 =	vor.u32 v3, v4  }
0x42: {  	v4 =	vperm.xlane v3, v0;
	_ =	sdelay $0x1  }
0x43: {  	v3 =	vperm.xlane v3, v2;
	v4 =	vadd.s32 v1, v4;
	_ =	sdelay $0x1  }
0x44: {  	v3 =	vadd.s32 v1, v3;
	_ =	sdelay $0x1  }
0x45: {  	s1 =	simm.s32 $0x2C00  }
0x46: {  	[tilespmem:s1], [sflag:$0x1] =	stream.indirect_vreg.gather [hbm4b:s2+s4], $0x80, v4, vm0, $0xb8;
	[tilespmem:$0x15C00] =	vst v63  }
0x47: {  	s6 =	simm.s32 $0x3400  }
0x48: {  	[tilespmem:s6], [sflag:$0x1] =	stream.indirect_vreg.gather [hbm4b:s2+s4], $0x80, v3, vm0, $0xb8;
	[tilespmem:$0x15C00] =	vst v63  }
0x49: {  	v3 =	vld [tilespmem:$0x20];
	_ =	sdelay $0x4  }
0x4a: {  	v54 =	vshll.u32 v3, $0x1  }
0x4b: {  	v3 =	vand.u32 $0x7, v3;
	v4 =	vand.u32 $0xFFFFFFF0, v54  }
0x4c: {  	v3 =	vor.u32 v3, v4  }
0x4d: {  	v4 =	vperm.xlane v3, v0;
	_ =	sdelay $0x1  }
0x4e: {  	v3 =	vperm.xlane v3, v2;
	v4 =	vadd.s32 v1, v4;
	_ =	sdelay $0x1  }
0x4f: {  	v3 =	vadd.s32 v1, v3;
	_ =	sdelay $0x1  }
0x50: {  	s1 =	simm.s32 $0x3C00  }
0x51: {  	[tilespmem:s1], [sflag:$0x1] =	stream.indirect_vreg.gather [hbm4b:s2+s4], $0x80, v4, vm0, $0xb8;
	[tilespmem:$0x15C00] =	vst v63  }
0x52: {  	s6 =	simm.s32 $0x4400  }
0x53: {  	[tilespmem:s6], [sflag:$0x1] =	stream.indirect_vreg.gather [hbm4b:s2+s4], $0x80, v3, vm0, $0xb8;
	[tilespmem:$0x15C00] =	vst v63  }
0x54: {  	v3 =	vld [tilespmem:$0x30];
	_ =	sdelay $0x4  }
0x55: {  	v55 =	vshll.u32 v3, $0x1  }
0x56: {  	v3 =	vand.u32 $0x7, v3;
	v4 =	vand.u32 $0xFFFFFFF0, v55  }
0x57: {  	v3 =	vor.u32 v3, v4  }
0x58: {  	v4 =	vperm.xlane v3, v0;
	_ =	sdelay $0x1  }
0x59: {  	v3 =	vperm.xlane v3, v2;
	v4 =	vadd.s32 v1, v4;
	_ =	sdelay $0x1  }
0x5a: {  	v3 =	vadd.s32 v1, v3;
	_ =	sdelay $0x1  }
0x5b: {  	s1 =	simm.s32 $0x4C00  }
0x5c: {  	[tilespmem:s1], [sflag:$0x1] =	stream.indirect_vreg.gather [hbm4b:s2+s4], $0x80, v4, vm0, $0xb8;
	[tilespmem:$0x15C00] =	vst v63  }
0x5d: {  	s6 =	simm.s32 $0x5400  }
0x5e: {  	[tilespmem:s6], [sflag:$0x1] =	stream.indirect_vreg.gather [hbm4b:s2+s4], $0x80, v3, vm0, $0xb8;
	[tilespmem:$0x15C00] =	vst v63  }
0x5f: {  	v3 =	vld [tilespmem:$0x40];
	_ =	sdelay $0x4  }
0x60: {  	v56 =	vshll.u32 v3, $0x1  }
0x61: {  	v3 =	vand.u32 $0x7, v3;
	v4 =	vand.u32 $0xFFFFFFF0, v56  }
0x62: {  	v3 =	vor.u32 v3, v4  }
0x63: {  	v4 =	vperm.xlane v3, v0;
	_ =	sdelay $0x1  }
0x64: {  	v3 =	vperm.xlane v3, v2;
	v4 =	vadd.s32 v1, v4;
	_ =	sdelay $0x1  }
0x65: {  	v3 =	vadd.s32 v1, v3;
	_ =	sdelay $0x2  }
0x66: {  	[tilespmem:s22], [sflag:$0x2] =	stream.indirect_vreg.gather [hbm4b:s2+s4], $0x80, v4, vm0, $0xb8;
	[tilespmem:$0x15C00] =	vst v63  }
0x67: {  	_ = 	snop  }
0x68: {  	[tilespmem:s9], [sflag:$0x2] =	stream.indirect_vreg.gather [hbm4b:s2+s4], $0x80, v3, vm0, $0xb8;
	[tilespmem:$0x15C00] =	vst v63  }
0x69: {  	v3 =	vld [tilespmem:$0x50];
	_ =	sdelay $0x4  }
0x6a: {  	v57 =	vshll.u32 v3, $0x1  }
0x6b: {  	v3 =	vand.u32 $0x7, v3;
	v4 =	vand.u32 $0xFFFFFFF0, v57  }
0x6c: {  	v3 =	vor.u32 v3, v4  }
0x6d: {  	v4 =	vperm.xlane v3, v0;
	_ =	sdelay $0x1  }
0x6e: {  	v3 =	vperm.xlane v3, v2;
	v4 =	vadd.s32 v1, v4;
	_ =	sdelay $0x1  }
0x6f: {  	v3 =	vadd.s32 v1, v3;
	_ =	sdelay $0x2  }
0x70: {  	[tilespmem:s10], [sflag:$0x2] =	stream.indirect_vreg.gather [hbm4b:s2+s4], $0x80, v4, vm0, $0xb8;
	[tilespmem:$0x15C00] =	vst v63  }
0x71: {  	_ = 	snop  }
0x72: {  	[tilespmem:s3], [sflag:$0x2] =	stream.indirect_vreg.gather [hbm4b:s2+s4], $0x80, v3, vm0, $0xb8;
	[tilespmem:$0x15C00] =	vst v63  }
0x73: {  	v3 =	vld [tilespmem:$0x60];
	_ =	sdelay $0x4  }
0x74: {  	v58 =	vshll.u32 v3, $0x1  }
0x75: {  	v3 =	vand.u32 $0x7, v3;
	v4 =	vand.u32 $0xFFFFFFF0, v58  }
0x76: {  	v3 =	vor.u32 v3, v4  }
0x77: {  	v4 =	vperm.xlane v3, v0;
	_ =	sdelay $0x1  }
0x78: {  	v3 =	vperm.xlane v3, v2;
	v4 =	vadd.s32 v1, v4;
	_ =	sdelay $0x1  }
0x79: {  	v3 =	vadd.s32 v1, v3;
	_ =	sdelay $0x2  }
0x7a: {  	[tilespmem:s11], [sflag:$0x2] =	stream.indirect_vreg.gather [hbm4b:s2+s4], $0x80, v4, vm0, $0xb8;
	[tilespmem:$0x15C00] =	vst v63  }
0x7b: {  	_ = 	snop  }
0x7c: {  	[tilespmem:s12], [sflag:$0x2] =	stream.indirect_vreg.gather [hbm4b:s2+s4], $0x80, v3, vm0, $0xb8;
	[tilespmem:$0x15C00] =	vst v63  }
0x7d: {  	v3 =	vld [tilespmem:$0x70];
	_ =	sdelay $0x4  }
0x7e: {  	v59 =	vshll.u32 v3, $0x1  }
0x7f: {  	v3 =	vand.u32 $0x7, v3;
	v4 =	vand.u32 $0xFFFFFFF0, v59  }
0x80: {  	v3 =	vor.u32 v3, v4  }
0x81: {  	v4 =	vperm.xlane v3, v0;
	_ =	sdelay $0x1  }
0x82: {  	v3 =	vperm.xlane v3, v2;
	v4 =	vadd.s32 v1, v4;
	_ =	sdelay $0x1  }
0x83: {  	v3 =	vadd.s32 v1, v3;
	_ =	sdelay $0x2  }
0x84: {  	[tilespmem:s13], [sflag:$0x2] =	stream.indirect_vreg.gather [hbm4b:s2+s4], $0x80, v4, vm0, $0xb8;
	[tilespmem:$0x15C00] =	vst v63  }
0x85: {  	_ = 	snop  }
0x86: {  	[tilespmem:s16], [sflag:$0x2] =	stream.indirect_vreg.gather [hbm4b:s2+s4], $0x80, v3, vm0, $0xb8;
	[tilespmem:$0x15C00] =	vst v63  }
0x87: {  	v3 =	vld [tilespmem:$0x80];
	_ =	sdelay $0x4  }
0x88: {  	v60 =	vshll.u32 v3, $0x1  }
0x89: {  	v3 =	vand.u32 $0x7, v3;
	v4 =	vand.u32 $0xFFFFFFF0, v60  }
0x8a: {  	v3 =	vor.u32 v3, v4  }
0x8b: {  	v4 =	vperm.xlane v3, v0;
	_ =	sdelay $0x1  }
0x8c: {  	v3 =	vperm.xlane v3, v2;
	v4 =	vadd.s32 v1, v4;
	_ =	sdelay $0x1  }
0x8d: {  	v3 =	vadd.s32 v1, v3;
	_ =	sdelay $0x2  }
0x8e: {  	[tilespmem:s31], [sflag:$0x3] =	stream.indirect_vreg.gather [hbm4b:s2+s4], $0x80, v4, vm0, $0xb8;
	[tilespmem:$0x15C00] =	vst v63  }
0x8f: {  	_ = 	snop  }
0x90: {  	[tilespmem:s17], [sflag:$0x3] =	stream.indirect_vreg.gather [hbm4b:s2+s4], $0x80, v3, vm0, $0xb8;
	[tilespmem:$0x15C00] =	vst v63  }
0x91: {  	v3 =	vld [tilespmem:$0x90];
	_ =	sdelay $0x4  }
0x92: {  	v61 =	vshll.u32 v3, $0x1  }
0x93: {  	v3 =	vand.u32 $0x7, v3;
	v4 =	vand.u32 $0xFFFFFFF0, v61  }
0x94: {  	v3 =	vor.u32 v3, v4  }
0x95: {  	v4 =	vperm.xlane v3, v0;
	_ =	sdelay $0x1  }
0x96: {  	v3 =	vperm.xlane v3, v2;
	v4 =	vadd.s32 v1, v4;
	_ =	sdelay $0x1  }
0x97: {  	v3 =	vadd.s32 v1, v3;
	_ =	sdelay $0x2  }
0x98: {  	[tilespmem:s30], [sflag:$0x3] =	stream.indirect_vreg.gather [hbm4b:s2+s4], $0x80, v4, vm0, $0xb8;
	[tilespmem:$0x15C00] =	vst v63  }
0x99: {  	s13 =	simm.s32 $0xB400  }
0x9a: {  	[tilespmem:s13], [sflag:$0x3] =	stream.indirect_vreg.gather [hbm4b:s2+s4], $0x80, v3, vm0, $0xb8;
	[tilespmem:$0x15C00] =	vst v63  }
0x9b: {  	v3 =	vld [tilespmem:$0xA0];
	_ =	sdelay $0x4  }
0x9c: {  	v62 =	vshll.u32 v3, $0x1  }
0x9d: {  	v3 =	vand.u32 $0x7, v3;
	v4 =	vand.u32 $0xFFFFFFF0, v62  }
0x9e: {  	v3 =	vor.u32 v3, v4  }
0x9f: {  	v4 =	vperm.xlane v3, v0;
	_ =	sdelay $0x1  }
0xa0: {  	v3 =	vperm.xlane v3, v2;
	v4 =	vadd.s32 v1, v4;
	_ =	sdelay $0x1  }
0xa1: {  	v3 =	vadd.s32 v1, v3;
	_ =	sdelay $0x1  }
0xa2: {  	s16 =	simm.s32 $0xBC00  }
0xa3: {  	[tilespmem:s16], [sflag:$0x3] =	stream.indirect_vreg.gather [hbm4b:s2+s4], $0x80, v4, vm0, $0xb8;
	[tilespmem:$0x15C00] =	vst v63  }
0xa4: {  	s17 =	simm.s32 $0xC400  }
0xa5: {  	[tilespmem:s17], [sflag:$0x3] =	stream.indirect_vreg.gather [hbm4b:s2+s4], $0x80, v3, vm0, $0xb8;
	[tilespmem:$0x15C00] =	vst v63  }
0xa6: {  	v3 =	vld [tilespmem:$0xB0];
	_ =	sdelay $0x4  }
0xa7: {  	v63 =	vshll.u32 v3, $0x1  }
0xa8: {  	v3 =	vand.u32 $0x7, v3;
	v4 =	vand.u32 $0xFFFFFFF0, v63  }
0xa9: {  	v3 =	vor.u32 v3, v4  }
0xaa: {  	v4 =	vperm.xlane v3, v0;
	_ =	sdelay $0x1  }
0xab: {  	v3 =	vperm.xlane v3, v2;
	v4 =	vadd.s32 v1, v4;
	_ =	sdelay $0x1  }
0xac: {  	v3 =	vadd.s32 v1, v3;
	_ =	sdelay $0x1  }
0xad: {  	s3 =	simm.s32 $0xCC00  }
0xae: {  	[tilespmem:s3], [sflag:$0x3] =	stream.indirect_vreg.gather [hbm4b:s2+s4], $0x80, v4, vm0, $0xb8;
	[tilespmem:$0x15C00] =	vst v63  }
0xaf: {  	s0 =	simm.s32 $0x0;
	s30 =	simm.s32 $0x0;
	s16 =	simm.s32 $0xD400  }
0xb0: {  	[tilespmem:s16], [sflag:$0x3] =	stream.indirect_vreg.gather [hbm4b:s2+s4], $0x80, v3, vm0, $0xb8;
	[tilespmem:$0x15C00] =	vst v63  }
.LBB2_2:
0xb1: {  	_ =	swait.ge [sflag:s5], $0x4000  }
0xb2: {  	[sflag:s5] =	ssyncset.done $0x0  }
0xb3: {  	s1 =	rddreg [dreg:$0x2]  }
0xb4: {  	s1 =	sadd.s32 s0, s1  }
0xb5: {  	p0 =	sne.s32 s0, $0x0;
	[sflag:s5] =	ssyncadd.s32 $0xFFFFC000;
	s10 =	sadd.s32 s7, s1  }
0xb6: {  	[hbm4b:s10+s4] =	stream.linear.scatter [tilespmem:s14], [sflag:$0x6], $0x4000, $0x38;
	[tilespmem:$0x15C00] =	vst v63  }
0xb7: {  	s10 =	simm.s32 @p0 $0x9  }
0xb8: {  	_ =	swait.ge @p0 [sflag:s10], $0x4000  }
0xb9: {  	[sflag:s10] =	ssyncset.done @p0 $0x0  }
0xba: {  	[sflag:s10] =	ssyncadd.s32 @p0 $0xFFFFC000;
	s10 =	sshra.s32 @p0 s30, $0x2  }
0xbb: {  	v3 =	vld @p0 [tilespmem:s10+$0xC0];
	_ =	sdelay $0x4  }
0xbc: {  	v4 =	vshll.u32 @p0 v3, $0x1  }
0xbd: {  	v5 =	vlaneseq.u32 @p0;
	v3 =	vand.u32 @p0 $0x7, v3;
	v4 =	vand.u32 @p0 $0xFFFFFFF0, v4  }
0xbe: {  	v6 =	vor.u32 @p0 v3, v4;
	v3 =	vand.u32 @p0 $0x7, v5;
	v4 =	vshrl.u32 @p0 v5, $0x3  }
0xbf: {  	v7 =	vperm.xlane @p0 v6, v3;
	v4 =	vmul.u32 @p0 $0x8, v4  }
0xc0: {  	v5 =	vor.u32 @p0 $0x8, v5  }
0xc1: {  	v6 =	vperm.xlane @p0 v6, v5;
	v7 =	vadd.s32 @p0 v4, v7;
	_ =	sdelay $0x1  }
0xc2: {  	v6 =	vadd.s32 @p0 v4, v6;
	_ =	sdelay $0x1  }
0xc3: {  	vm1 =	vmmov @p0 $0xffff;
	s11 =	simm.s32 @p0 $0x0;
	s12 =	simm.s32 @p0 $0xDC00  }
0xc4: {  	[tilespmem:s12], [sflag:$0x4] =	stream.indirect_vreg.gather @p0 [hbm4b:s2+s11], $0x80, v7, vm1, $0xb8;
	[tilespmem:$0x15C00] =	vst v63  }
0xc5: {  	s12 =	simm.s32 @p0 $0xE400  }
0xc6: {  	[tilespmem:s12], [sflag:$0x4] =	stream.indirect_vreg.gather @p0 [hbm4b:s2+s11], $0x80, v6, vm1, $0xb8;
	[tilespmem:$0x15C00] =	vst v63  }
0xc7: {  	v6 =	vld @p0 [tilespmem:s10+$0xD0];
	_ =	sdelay $0x4  }
0xc8: {  	v7 =	vshll.u32 @p0 v6, $0x1  }
0xc9: {  	v6 =	vand.u32 @p0 $0x7, v6;
	v7 =	vand.u32 @p0 $0xFFFFFFF0, v7  }
0xca: {  	v6 =	vor.u32 @p0 v6, v7  }
0xcb: {  	v7 =	vperm.xlane @p0 v6, v3;
	_ =	sdelay $0x1  }
0xcc: {  	v6 =	vperm.xlane @p0 v6, v5;
	v7 =	vadd.s32 @p0 v4, v7;
	_ =	sdelay $0x1  }
0xcd: {  	v6 =	vadd.s32 @p0 v4, v6;
	_ =	sdelay $0x1  }
0xce: {  	s12 =	simm.s32 @p0 $0xEC00  }
0xcf: {  	[tilespmem:s12], [sflag:$0x4] =	stream.indirect_vreg.gather @p0 [hbm4b:s2+s11], $0x80, v7, vm1, $0xb8;
	[tilespmem:$0x15C00] =	vst v63  }
0xd0: {  	s12 =	simm.s32 @p0 $0xF400  }
0xd1: {  	[tilespmem:s12], [sflag:$0x4] =	stream.indirect_vreg.gather @p0 [hbm4b:s2+s11], $0x80, v6, vm1, $0xb8;
	[tilespmem:$0x15C00] =	vst v63  }
0xd2: {  	v6 =	vld @p0 [tilespmem:s10+$0xE0];
	_ =	sdelay $0x4  }
0xd3: {  	v7 =	vshll.u32 @p0 v6, $0x1  }
0xd4: {  	v6 =	vand.u32 @p0 $0x7, v6;
	v7 =	vand.u32 @p0 $0xFFFFFFF0, v7  }
0xd5: {  	v6 =	vor.u32 @p0 v6, v7  }
0xd6: {  	v7 =	vperm.xlane @p0 v6, v3;
	_ =	sdelay $0x1  }
0xd7: {  	v6 =	vperm.xlane @p0 v6, v5;
	v7 =	vadd.s32 @p0 v4, v7;
	_ =	sdelay $0x1  }
0xd8: {  	v6 =	vadd.s32 @p0 v4, v6;
	_ =	sdelay $0x1  }
0xd9: {  	s12 =	simm.s32 @p0 $0xFC00  }
0xda: {  	[tilespmem:s12], [sflag:$0x4] =	stream.indirect_vreg.gather @p0 [hbm4b:s2+s11], $0x80, v7, vm1, $0xb8;
	[tilespmem:$0x15C00] =	vst v63  }
0xdb: {  	s12 =	simm.s32 @p0 $0x10400  }
0xdc: {  	[tilespmem:s12], [sflag:$0x4] =	stream.indirect_vreg.gather @p0 [hbm4b:s2+s11], $0x80, v6, vm1, $0xb8;
	[tilespmem:$0x15C00] =	vst v63  }
0xdd: {  	v6 =	vld @!p0 [tilespmem:$0xC0];
	_ =	sdelay $0x4  }
0xde: {  	v7 =	vshll.u32 @!p0 v6, $0x1  }
0xdf: {  	v8 =	vlaneseq.u32 @!p0;
	v6 =	vand.u32 @!p0 $0x7, v6;
	v7 =	vand.u32 @!p0 $0xFFFFFFF0, v7  }
0xe0: {  	v9 =	vor.u32 @!p0 v6, v7;
	v6 =	vand.u32 @!p0 $0x7, v8;
	v7 =	vshrl.u32 @!p0 v8, $0x3  }
0xe1: {  	v10 =	vperm.xlane @!p0 v9, v6;
	v7 =	vmul.u32 @!p0 $0x8, v7  }
0xe2: {  	v8 =	vor.u32 @!p0 $0x8, v8  }
0xe3: {  	v9 =	vperm.xlane @!p0 v9, v8;
	v10 =	vadd.s32 @!p0 v7, v10;
	_ =	sdelay $0x1  }
0xe4: {  	v9 =	vadd.s32 @!p0 v7, v9;
	_ =	sdelay $0x1  }
0xe5: {  	vm2 =	vmmov @!p0 $0xffff;
	s6 =	simm.s32 @!p0 $0xDC00;
	s12 =	simm.s32 @!p0 $0x0  }
0xe6: {  	[tilespmem:s6], [sflag:$0x4] =	stream.indirect_vreg.gather @!p0 [hbm4b:s2+s12], $0x80, v10, vm2, $0xb8;
	[tilespmem:$0x15C00] =	vst v63  }
0xe7: {  	s6 =	simm.s32 @!p0 $0xE400  }
0xe8: {  	[tilespmem:s6], [sflag:$0x4] =	stream.indirect_vreg.gather @!p0 [hbm4b:s2+s12], $0x80, v9, vm2, $0xb8;
	[tilespmem:$0x15C00] =	vst v63  }
0xe9: {  	v9 =	vld @!p0 [tilespmem:$0xD0];
	_ =	sdelay $0x4  }
0xea: {  	v10 =	vshll.u32 @!p0 v9, $0x1  }
0xeb: {  	v9 =	vand.u32 @!p0 $0x7, v9;
	v10 =	vand.u32 @!p0 $0xFFFFFFF0, v10  }
0xec: {  	v9 =	vor.u32 @!p0 v9, v10  }
0xed: {  	v10 =	vperm.xlane @!p0 v9, v6;
	_ =	sdelay $0x1  }
0xee: {  	v9 =	vperm.xlane @!p0 v9, v8;
	v10 =	vadd.s32 @!p0 v7, v10;
	_ =	sdelay $0x1  }
0xef: {  	v9 =	vadd.s32 @!p0 v7, v9;
	_ =	sdelay $0x1  }
0xf0: {  	s6 =	simm.s32 @!p0 $0xEC00  }
0xf1: {  	[tilespmem:s6], [sflag:$0x4] =	stream.indirect_vreg.gather @!p0 [hbm4b:s2+s12], $0x80, v10, vm2, $0xb8;
	[tilespmem:$0x15C00] =	vst v63  }
0xf2: {  	s6 =	simm.s32 @!p0 $0xF400  }
0xf3: {  	[tilespmem:s6], [sflag:$0x4] =	stream.indirect_vreg.gather @!p0 [hbm4b:s2+s12], $0x80, v9, vm2, $0xb8;
	[tilespmem:$0x15C00] =	vst v63  }
0xf4: {  	v9 =	vld @!p0 [tilespmem:$0xE0];
	_ =	sdelay $0x4  }
0xf5: {  	v10 =	vshll.u32 @!p0 v9, $0x1  }
0xf6: {  	v9 =	vand.u32 @!p0 $0x7, v9;
	v10 =	vand.u32 @!p0 $0xFFFFFFF0, v10  }
0xf7: {  	v9 =	vor.u32 @!p0 v9, v10  }
0xf8: {  	v10 =	vperm.xlane @!p0 v9, v6;
	_ =	sdelay $0x1  }
0xf9: {  	v9 =	vperm.xlane @!p0 v9, v8;
	v10 =	vadd.s32 @!p0 v7, v10;
	_ =	sdelay $0x1  }
0xfa: {  	v9 =	vadd.s32 @!p0 v7, v9;
	_ =	sdelay $0x1  }
0xfb: {  	s6 =	simm.s32 @!p0 $0xFC00  }
0xfc: {  	[tilespmem:s6], [sflag:$0x4] =	stream.indirect_vreg.gather @!p0 [hbm4b:s2+s12], $0x80, v10, vm2, $0xb8;
	[tilespmem:$0x15C00] =	vst v63  }
0xfd: {  	s6 =	simm.s32 @!p0 $0x10400  }
0xfe: {  	[tilespmem:s6], [sflag:$0x4] =	stream.indirect_vreg.gather @!p0 [hbm4b:s2+s12], $0x80, v9, vm2, $0xb8;
	[tilespmem:$0x15C00] =	vst v63  }
0xff: {  	s6 =	sadd.s32 @p0 $0xF0, s10  }
0x100: {  	s6 =	simm.s32 @!p0 $0xF0  }
0x101: {  	v9 =	vld [tilespmem:s6+$0x0];
	_ =	sdelay $0x4  }
0x102: {  	v42 =	vshll.u32 v9, $0x1  }
0x103: {  	v9 =	vand.u32 $0x7, v9;
	v10 =	vand.u32 $0xFFFFFFF0, v42  }
0x104: {  	v9 =	vor.u32 v9, v10  }
0x105: {  	v10 =	vperm.xlane v9, v0;
	_ =	sdelay $0x1  }
0x106: {  	v9 =	vperm.xlane v9, v2;
	v10 =	vadd.s32 v1, v10;
	_ =	sdelay $0x1  }
0x107: {  	v9 =	vadd.s32 v1, v9;
	_ =	sdelay $0x1  }
0x108: {  	s17 =	simm.s32 $0x10C00  }
0x109: {  	[tilespmem:s17], [sflag:$0x4] =	stream.indirect_vreg.gather [hbm4b:s2+s4], $0x80, v10, vm0, $0xb8;
	[tilespmem:$0x15C00] =	vst v63  }
0x10a: {  	s13 =	simm.s32 $0x11400  }
0x10b: {  	[tilespmem:s13], [sflag:$0x4] =	stream.indirect_vreg.gather [hbm4b:s2+s4], $0x80, v9, vm0, $0xb8;
	[tilespmem:$0x15C00] =	vst v63  }
0x10c: {  	_ =	swait.ge [sflag:s15], $0x4000  }
0x10d: {  	[sflag:s15] =	ssyncset.done $0x0  }
0x10e: {  	s9 =	sadd.s32 s8, s1;
	s6 =	simm.s32 @p0 $0xA;
	[sflag:s15] =	ssyncadd.s32 $0xFFFFC000  }
0x10f: {  	[hbm4b:s9+s4] =	stream.linear.scatter [tilespmem:s22], [sflag:$0x7], $0x4000, $0x38;
	[tilespmem:$0x15C00] =	vst v63  }
0x110: {  	_ =	swait.ge @p0 [sflag:s6], $0x4000  }
0x111: {  	[sflag:s6] =	ssyncset.done @p0 $0x0  }
0x112: {  	[sflag:s6] =	ssyncadd.s32 @p0 $0xFFFFC000  }
0x113: {  	v9 =	vld @p0 [tilespmem:s10+$0x100];
	_ =	sdelay $0x4  }
0x114: {  	v10 =	vshll.u32 @p0 v9, $0x1  }
0x115: {  	v9 =	vand.u32 @p0 $0x7, v9;
	v10 =	vand.u32 @p0 $0xFFFFFFF0, v10  }
0x116: {  	v9 =	vor.u32 @p0 v9, v10  }
0x117: {  	v10 =	vperm.xlane @p0 v9, v3;
	_ =	sdelay $0x1  }
0x118: {  	v9 =	vperm.xlane @p0 v9, v5;
	v10 =	vadd.s32 @p0 v4, v10;
	_ =	sdelay $0x1  }
0x119: {  	v9 =	vadd.s32 @p0 v4, v9;
	_ =	sdelay $0x1  }
0x11a: {  	s6 =	simm.s32 @p0 $0x11C00  }
0x11b: {  	[tilespmem:s6], [sflag:$0x5] =	stream.indirect_vreg.gather @p0 [hbm4b:s2+s11], $0x80, v10, vm1, $0xb8;
	[tilespmem:$0x15C00] =	vst v63  }
0x11c: {  	s6 =	simm.s32 @p0 $0x12400  }
0x11d: {  	[tilespmem:s6], [sflag:$0x5] =	stream.indirect_vreg.gather @p0 [hbm4b:s2+s11], $0x80, v9, vm1, $0xb8;
	[tilespmem:$0x15C00] =	vst v63  }
0x11e: {  	v9 =	vld @p0 [tilespmem:s10+$0x110];
	_ =	sdelay $0x4  }
0x11f: {  	v10 =	vshll.u32 @p0 v9, $0x1  }
0x120: {  	v9 =	vand.u32 @p0 $0x7, v9;
	v10 =	vand.u32 @p0 $0xFFFFFFF0, v10  }
0x121: {  	v9 =	vor.u32 @p0 v9, v10  }
0x122: {  	v10 =	vperm.xlane @p0 v9, v3;
	_ =	sdelay $0x1  }
0x123: {  	v9 =	vperm.xlane @p0 v9, v5;
	v10 =	vadd.s32 @p0 v4, v10;
	_ =	sdelay $0x1  }
0x124: {  	v9 =	vadd.s32 @p0 v4, v9;
	_ =	sdelay $0x1  }
0x125: {  	s6 =	simm.s32 @p0 $0x12C00  }
0x126: {  	[tilespmem:s6], [sflag:$0x5] =	stream.indirect_vreg.gather @p0 [hbm4b:s2+s11], $0x80, v10, vm1, $0xb8;
	[tilespmem:$0x15C00] =	vst v63  }
0x127: {  	s6 =	simm.s32 @p0 $0x13400  }
0x128: {  	[tilespmem:s6], [sflag:$0x5] =	stream.indirect_vreg.gather @p0 [hbm4b:s2+s11], $0x80, v9, vm1, $0xb8;
	[tilespmem:$0x15C00] =	vst v63  }
0x129: {  	v9 =	vld @p0 [tilespmem:s10+$0x120];
	_ =	sdelay $0x4  }
0x12a: {  	v10 =	vshll.u32 @p0 v9, $0x1  }
0x12b: {  	v9 =	vand.u32 @p0 $0x7, v9;
	v10 =	vand.u32 @p0 $0xFFFFFFF0, v10  }
0x12c: {  	v9 =	vor.u32 @p0 v9, v10  }
0x12d: {  	v3 =	vperm.xlane @p0 v9, v3;
	_ =	sdelay $0x1  }
0x12e: {  	v5 =	vperm.xlane @p0 v9, v5;
	v3 =	vadd.s32 @p0 v4, v3;
	_ =	sdelay $0x1  }
0x12f: {  	v4 =	vadd.s32 @p0 v4, v5;
	_ =	sdelay $0x1  }
0x130: {  	s6 =	simm.s32 @p0 $0x13C00  }
0x131: {  	[tilespmem:s6], [sflag:$0x5] =	stream.indirect_vreg.gather @p0 [hbm4b:s2+s11], $0x80, v3, vm1, $0xb8;
	[tilespmem:$0x15C00] =	vst v63  }
0x132: {  	s6 =	simm.s32 @p0 $0x14400  }
0x133: {  	[tilespmem:s6], [sflag:$0x5] =	stream.indirect_vreg.gather @p0 [hbm4b:s2+s11], $0x80, v4, vm1, $0xb8;
	[tilespmem:$0x15C00] =	vst v63  }
0x134: {  	v3 =	vld @!p0 [tilespmem:$0x100];
	_ =	sdelay $0x4  }
0x135: {  	v4 =	vshll.u32 @!p0 v3, $0x1  }
0x136: {  	v3 =	vand.u32 @!p0 $0x7, v3;
	v4 =	vand.u32 @!p0 $0xFFFFFFF0, v4  }
0x137: {  	v3 =	vor.u32 @!p0 v3, v4  }
0x138: {  	v4 =	vperm.xlane @!p0 v3, v6;
	_ =	sdelay $0x1  }
0x139: {  	v3 =	vperm.xlane @!p0 v3, v8;
	v4 =	vadd.s32 @!p0 v7, v4;
	_ =	sdelay $0x1  }
0x13a: {  	v3 =	vadd.s32 @!p0 v7, v3;
	_ =	sdelay $0x1  }
0x13b: {  	s6 =	simm.s32 @!p0 $0x11C00  }
0x13c: {  	[tilespmem:s6], [sflag:$0x5] =	stream.indirect_vreg.gather @!p0 [hbm4b:s2+s12], $0x80, v4, vm2, $0xb8;
	[tilespmem:$0x15C00] =	vst v63  }
0x13d: {  	s6 =	simm.s32 @!p0 $0x12400  }
0x13e: {  	[tilespmem:s6], [sflag:$0x5] =	stream.indirect_vreg.gather @!p0 [hbm4b:s2+s12], $0x80, v3, vm2, $0xb8;
	[tilespmem:$0x15C00] =	vst v63  }
0x13f: {  	v3 =	vld @!p0 [tilespmem:$0x110];
	_ =	sdelay $0x4  }
0x140: {  	v4 =	vshll.u32 @!p0 v3, $0x1  }
0x141: {  	v3 =	vand.u32 @!p0 $0x7, v3;
	v4 =	vand.u32 @!p0 $0xFFFFFFF0, v4  }
0x142: {  	v3 =	vor.u32 @!p0 v3, v4  }
0x143: {  	v4 =	vperm.xlane @!p0 v3, v6;
	_ =	sdelay $0x1  }
0x144: {  	v3 =	vperm.xlane @!p0 v3, v8;
	v4 =	vadd.s32 @!p0 v7, v4;
	_ =	sdelay $0x1  }
0x145: {  	v3 =	vadd.s32 @!p0 v7, v3;
	_ =	sdelay $0x1  }
0x146: {  	s6 =	simm.s32 @!p0 $0x12C00  }
0x147: {  	[tilespmem:s6], [sflag:$0x5] =	stream.indirect_vreg.gather @!p0 [hbm4b:s2+s12], $0x80, v4, vm2, $0xb8;
	[tilespmem:$0x15C00] =	vst v63  }
0x148: {  	s6 =	simm.s32 @!p0 $0x13400  }
0x149: {  	[tilespmem:s6], [sflag:$0x5] =	stream.indirect_vreg.gather @!p0 [hbm4b:s2+s12], $0x80, v3, vm2, $0xb8;
	[tilespmem:$0x15C00] =	vst v63  }
0x14a: {  	v3 =	vld @!p0 [tilespmem:$0x120];
	_ =	sdelay $0x4  }
0x14b: {  	v4 =	vshll.u32 @!p0 v3, $0x1  }
0x14c: {  	v3 =	vand.u32 @!p0 $0x7, v3;
	v4 =	vand.u32 @!p0 $0xFFFFFFF0, v4  }
0x14d: {  	v3 =	vor.u32 @!p0 v3, v4  }
0x14e: {  	v4 =	vperm.xlane @!p0 v3, v6;
	_ =	sdelay $0x1  }
0x14f: {  	v4 =	vadd.s32 @!p0 v7, v4  }
0x150: {  	v3 =	vperm.xlane @!p0 v3, v8;
	_ =	sdelay $0x1  }
0x151: {  	v3 =	vadd.s32 @!p0 v7, v3  }
0x152: {  	s6 =	simm.s32 @!p0 $0x13C00  }
0x153: {  	[tilespmem:s6], [sflag:$0x5] =	stream.indirect_vreg.gather @!p0 [hbm4b:s2+s12], $0x80, v4, vm2, $0xb8;
	[tilespmem:$0x15C00] =	vst v63  }
0x154: {  	s6 =	sadd.s32 @p0 $0x130, s10  }
0x155: {  	s10 =	simm.s32 @!p0 $0x14400;
	s6 =	simm.s32 @!p0 $0x130  }
0x156: {  	[tilespmem:s10], [sflag:$0x5] =	stream.indirect_vreg.gather @!p0 [hbm4b:s2+s12], $0x80, v3, vm2, $0xb8;
	[tilespmem:$0x15C00] =	vst v63  }
0x157: {  	v3 =	vld [tilespmem:s6+$0x0];
	_ =	sdelay $0x4  }
0x158: {  	v43 =	vshll.u32 v3, $0x1  }
0x159: {  	v3 =	vand.u32 $0x7, v3;
	v4 =	vand.u32 $0xFFFFFFF0, v43  }
0x15a: {  	v3 =	vor.u32 v3, v4  }
0x15b: {  	v4 =	vperm.xlane v3, v0;
	_ =	sdelay $0x1  }
0x15c: {  	v3 =	vperm.xlane v3, v2;
	v4 =	vadd.s32 v1, v4;
	_ =	sdelay $0x1  }
0x15d: {  	v3 =	vadd.s32 v1, v3;
	_ =	sdelay $0x1  }
0x15e: {  	s12 =	simm.s32 $0x14C00  }
0x15f: {  	[tilespmem:s12], [sflag:$0x5] =	stream.indirect_vreg.gather [hbm4b:s2+s4], $0x80, v4, vm0, $0xb8;
	[tilespmem:$0x15C00] =	vst v63  }
0x160: {  	s9 =	simm.s32 $0x15400  }
0x161: {  	[tilespmem:s9], [sflag:$0x5] =	stream.indirect_vreg.gather [hbm4b:s2+s4], $0x80, v3, vm0, $0xb8;
	[tilespmem:$0x15C00] =	vst v63  }
0x162: {  	_ =	swait.ge [sflag:s18], $0x4000  }
0x163: {  	s6 =	sadd.s32 $0x20000, s1;
	[sflag:s18] =	ssyncset.done $0x0  }
0x164: {  	s11 =	sadd.s32 s7, s6;
	[sflag:s18] =	ssyncadd.s32 $0xFFFFC000  }
0x165: {  	[hbm4b:s11+s4] =	stream.linear.scatter [tilespmem:s31], [sflag:$0x8], $0x4000, $0x38;
	[tilespmem:$0x15C00] =	vst v63  }
0x166: {  	s10 =	sadd.s32 @p0 $0x400, s30;
	_ =	swait.ge [sflag:s19], $0x4000  }
0x167: {  	s10 =	simm.s32 @!p0 $0x400;
	[sflag:s19] =	ssyncset.done $0x0  }
0x168: {  	s10 =	sshra.s32 s10, $0x2;
	[sflag:s19] =	ssyncadd.s32 $0xFFFFC000  }
0x169: {  	v3 =	vld [tilespmem:s10+$0x40];
	_ =	sdelay $0x4  }
0x16a: {  	v44 =	vshll.u32 v3, $0x1  }
0x16b: {  	v3 =	vand.u32 $0x7, v3;
	v4 =	vand.u32 $0xFFFFFFF0, v44  }
0x16c: {  	v3 =	vor.u32 v3, v4  }
0x16d: {  	v4 =	vperm.xlane v3, v0;
	_ =	sdelay $0x1  }
0x16e: {  	v3 =	vperm.xlane v3, v2;
	v4 =	vadd.s32 v1, v4;
	_ =	sdelay $0x1  }
0x16f: {  	v3 =	vadd.s32 v1, v3;
	_ =	sdelay $0x2  }
0x170: {  	[tilespmem:s14], [sflag:$0x1] =	stream.indirect_vreg.gather [hbm4b:s2+s4], $0x80, v4, vm0, $0xb8;
	[tilespmem:$0x15C00] =	vst v63  }
0x171: {  	s11 =	simm.s32 $0x2400  }
0x172: {  	[tilespmem:s11], [sflag:$0x1] =	stream.indirect_vreg.gather [hbm4b:s2+s4], $0x80, v3, vm0, $0xb8;
	[tilespmem:$0x15C00] =	vst v63  }
0x173: {  	v3 =	vld [tilespmem:s10+$0x50];
	_ =	sdelay $0x4  }
0x174: {  	v45 =	vshll.u32 v3, $0x1  }
0x175: {  	v3 =	vand.u32 $0x7, v3;
	v4 =	vand.u32 $0xFFFFFFF0, v45  }
0x176: {  	v3 =	vor.u32 v3, v4  }
0x177: {  	v4 =	vperm.xlane v3, v0;
	_ =	sdelay $0x1  }
0x178: {  	v3 =	vperm.xlane v3, v2;
	v4 =	vadd.s32 v1, v4;
	_ =	sdelay $0x1  }
0x179: {  	v3 =	vadd.s32 v1, v3;
	_ =	sdelay $0x1  }
0x17a: {  	s11 =	simm.s32 $0x2C00  }
0x17b: {  	[tilespmem:s11], [sflag:$0x1] =	stream.indirect_vreg.gather [hbm4b:s2+s4], $0x80, v4, vm0, $0xb8;
	[tilespmem:$0x15C00] =	vst v63  }
0x17c: {  	s11 =	simm.s32 $0x3400  }
0x17d: {  	[tilespmem:s11], [sflag:$0x1] =	stream.indirect_vreg.gather [hbm4b:s2+s4], $0x80, v3, vm0, $0xb8;
	[tilespmem:$0x15C00] =	vst v63  }
0x17e: {  	v3 =	vld [tilespmem:s10+$0x60];
	_ =	sdelay $0x4  }
0x17f: {  	v46 =	vshll.u32 v3, $0x1  }
0x180: {  	v3 =	vand.u32 $0x7, v3;
	v4 =	vand.u32 $0xFFFFFFF0, v46  }
0x181: {  	v3 =	vor.u32 v3, v4  }
0x182: {  	v4 =	vperm.xlane v3, v0;
	_ =	sdelay $0x1  }
0x183: {  	v3 =	vperm.xlane v3, v2;
	v4 =	vadd.s32 v1, v4;
	_ =	sdelay $0x1  }
0x184: {  	v3 =	vadd.s32 v1, v3;
	_ =	sdelay $0x1  }
0x185: {  	s11 =	simm.s32 $0x3C00  }
0x186: {  	[tilespmem:s11], [sflag:$0x1] =	stream.indirect_vreg.gather [hbm4b:s2+s4], $0x80, v4, vm0, $0xb8;
	[tilespmem:$0x15C00] =	vst v63  }
0x187: {  	s11 =	simm.s32 $0x4400  }
0x188: {  	[tilespmem:s11], [sflag:$0x1] =	stream.indirect_vreg.gather [hbm4b:s2+s4], $0x80, v3, vm0, $0xb8;
	[tilespmem:$0x15C00] =	vst v63  }
0x189: {  	v3 =	vld [tilespmem:s10+$0x70];
	_ =	sdelay $0x4  }
0x18a: {  	v47 =	vshll.u32 v3, $0x1  }
0x18b: {  	v3 =	vand.u32 $0x7, v3;
	v4 =	vand.u32 $0xFFFFFFF0, v47  }
0x18c: {  	v3 =	vor.u32 v3, v4  }
0x18d: {  	v4 =	vperm.xlane v3, v0;
	_ =	sdelay $0x1  }
0x18e: {  	v3 =	vperm.xlane v3, v2;
	v4 =	vadd.s32 v1, v4;
	_ =	sdelay $0x1  }
0x18f: {  	v3 =	vadd.s32 v1, v3;
	_ =	sdelay $0x1  }
0x190: {  	s11 =	simm.s32 $0x4C00  }
0x191: {  	[tilespmem:s11], [sflag:$0x1] =	stream.indirect_vreg.gather [hbm4b:s2+s4], $0x80, v4, vm0, $0xb8;
	[tilespmem:$0x15C00] =	vst v63  }
0x192: {  	s11 =	simm.s32 $0x5400  }
0x193: {  	[tilespmem:s11], [sflag:$0x1] =	stream.indirect_vreg.gather [hbm4b:s2+s4], $0x80, v3, vm0, $0xb8;
	[tilespmem:$0x15C00] =	vst v63  }
0x194: {  	_ =	swait.ge [sflag:s20], $0x4000  }
0x195: {  	[sflag:s20] =	ssyncset.done $0x0  }
0x196: {  	s6 =	sadd.s32 s8, s6;
	[sflag:s20] =	ssyncadd.s32 $0xFFFFC000  }
0x197: {  	[hbm4b:s6+s4] =	stream.linear.scatter [tilespmem:s21], [sflag:$0x9], $0x4000, $0x38;
	[tilespmem:$0x15C00] =	vst v63  }
0x198: {  	_ =	swait.ge [sflag:s23], $0x4000  }
0x199: {  	[sflag:s23] =	ssyncset.done $0x0  }
0x19a: {  	s10 =	sshra.s32 s30, $0x2;
	[sflag:s23] =	ssyncadd.s32 $0xFFFFC000  }
0x19b: {  	v3 =	vld [tilespmem:s10+$0x180];
	_ =	sdelay $0x4  }
0x19c: {  	v48 =	vshll.u32 v3, $0x1  }
0x19d: {  	v3 =	vand.u32 $0x7, v3;
	v4 =	vand.u32 $0xFFFFFFF0, v48  }
0x19e: {  	v3 =	vor.u32 v3, v4  }
0x19f: {  	v4 =	vperm.xlane v3, v0;
	_ =	sdelay $0x1  }
0x1a0: {  	v3 =	vperm.xlane v3, v2;
	v4 =	vadd.s32 v1, v4;
	_ =	sdelay $0x1  }
0x1a1: {  	v3 =	vadd.s32 v1, v3;
	_ =	sdelay $0x2  }
0x1a2: {  	[tilespmem:s22], [sflag:$0x2] =	stream.indirect_vreg.gather [hbm4b:s2+s4], $0x80, v4, vm0, $0xb8;
	[tilespmem:$0x15C00] =	vst v63  }
0x1a3: {  	s11 =	simm.s32 $0x6400  }
0x1a4: {  	[tilespmem:s11], [sflag:$0x2] =	stream.indirect_vreg.gather [hbm4b:s2+s4], $0x80, v3, vm0, $0xb8;
	[tilespmem:$0x15C00] =	vst v63  }
0x1a5: {  	v3 =	vld [tilespmem:s10+$0x190];
	_ =	sdelay $0x4  }
0x1a6: {  	v49 =	vshll.u32 v3, $0x1  }
0x1a7: {  	v3 =	vand.u32 $0x7, v3;
	v4 =	vand.u32 $0xFFFFFFF0, v49  }
0x1a8: {  	v3 =	vor.u32 v3, v4  }
0x1a9: {  	v4 =	vperm.xlane v3, v0;
	_ =	sdelay $0x1  }
0x1aa: {  	v3 =	vperm.xlane v3, v2;
	v4 =	vadd.s32 v1, v4;
	_ =	sdelay $0x1  }
0x1ab: {  	v3 =	vadd.s32 v1, v3;
	_ =	sdelay $0x1  }
0x1ac: {  	s11 =	simm.s32 $0x6C00  }
0x1ad: {  	[tilespmem:s11], [sflag:$0x2] =	stream.indirect_vreg.gather [hbm4b:s2+s4], $0x80, v4, vm0, $0xb8;
	[tilespmem:$0x15C00] =	vst v63  }
0x1ae: {  	s11 =	simm.s32 $0x7400  }
0x1af: {  	[tilespmem:s11], [sflag:$0x2] =	stream.indirect_vreg.gather [hbm4b:s2+s4], $0x80, v3, vm0, $0xb8;
	[tilespmem:$0x15C00] =	vst v63  }
0x1b0: {  	v3 =	vld [tilespmem:s10+$0x1A0];
	_ =	sdelay $0x4  }
0x1b1: {  	v50 =	vshll.u32 v3, $0x1  }
0x1b2: {  	v3 =	vand.u32 $0x7, v3;
	v4 =	vand.u32 $0xFFFFFFF0, v50  }
0x1b3: {  	v3 =	vor.u32 v3, v4  }
0x1b4: {  	v4 =	vperm.xlane v3, v0;
	_ =	sdelay $0x1  }
0x1b5: {  	v3 =	vperm.xlane v3, v2;
	v4 =	vadd.s32 v1, v4;
	_ =	sdelay $0x1  }
0x1b6: {  	v3 =	vadd.s32 v1, v3;
	_ =	sdelay $0x1  }
0x1b7: {  	s11 =	simm.s32 $0x7C00  }
0x1b8: {  	[tilespmem:s11], [sflag:$0x2] =	stream.indirect_vreg.gather [hbm4b:s2+s4], $0x80, v4, vm0, $0xb8;
	[tilespmem:$0x15C00] =	vst v63  }
0x1b9: {  	s11 =	simm.s32 $0x8400  }
0x1ba: {  	[tilespmem:s11], [sflag:$0x2] =	stream.indirect_vreg.gather [hbm4b:s2+s4], $0x80, v3, vm0, $0xb8;
	[tilespmem:$0x15C00] =	vst v63  }
0x1bb: {  	v3 =	vld [tilespmem:s10+$0x1B0];
	_ =	sdelay $0x4  }
0x1bc: {  	v51 =	vshll.u32 v3, $0x1  }
0x1bd: {  	v3 =	vand.u32 $0x7, v3;
	v4 =	vand.u32 $0xFFFFFFF0, v51  }
0x1be: {  	v3 =	vor.u32 v3, v4  }
0x1bf: {  	v4 =	vperm.xlane v3, v0;
	_ =	sdelay $0x1  }
0x1c0: {  	v3 =	vperm.xlane v3, v2;
	v4 =	vadd.s32 v1, v4;
	_ =	sdelay $0x1  }
0x1c1: {  	v3 =	vadd.s32 v1, v3;
	_ =	sdelay $0x1  }
0x1c2: {  	s11 =	simm.s32 $0x8C00  }
0x1c3: {  	[tilespmem:s11], [sflag:$0x2] =	stream.indirect_vreg.gather [hbm4b:s2+s4], $0x80, v4, vm0, $0xb8;
	[tilespmem:$0x15C00] =	vst v63  }
0x1c4: {  	s11 =	simm.s32 $0x9400  }
0x1c5: {  	[tilespmem:s11], [sflag:$0x2] =	stream.indirect_vreg.gather [hbm4b:s2+s4], $0x80, v3, vm0, $0xb8;
	[tilespmem:$0x15C00] =	vst v63  }
0x1c6: {  	_ =	swait.ge [sflag:s24], $0x4000  }
0x1c7: {  	s6 =	sadd.s32 $0x40000, s1;
	[sflag:s24] =	ssyncset.done $0x0  }
0x1c8: {  	s11 =	sadd.s32 s7, s6;
	[sflag:s24] =	ssyncadd.s32 $0xFFFFC000  }
0x1c9: {  	[hbm4b:s11+s4] =	stream.linear.scatter [tilespmem:s25], [sflag:$0xA], $0x4000, $0x38;
	[tilespmem:$0x15C00] =	vst v63  }
0x1ca: {  	_ =	swait.ge [sflag:s26], $0x4000  }
0x1cb: {  	[sflag:s26] =	ssyncset.done $0x0  }
0x1cc: {  	[sflag:s26] =	ssyncadd.s32 $0xFFFFC000  }
0x1cd: {  	v3 =	vld [tilespmem:s10+$0x1C0];
	_ =	sdelay $0x4  }
0x1ce: {  	v52 =	vshll.u32 v3, $0x1  }
0x1cf: {  	v3 =	vand.u32 $0x7, v3;
	v4 =	vand.u32 $0xFFFFFFF0, v52  }
0x1d0: {  	v3 =	vor.u32 v3, v4  }
0x1d1: {  	v4 =	vperm.xlane v3, v0;
	_ =	sdelay $0x1  }
0x1d2: {  	v3 =	vperm.xlane v3, v2;
	v4 =	vadd.s32 v1, v4;
	_ =	sdelay $0x1  }
0x1d3: {  	v3 =	vadd.s32 v1, v3;
	_ =	sdelay $0x2  }
0x1d4: {  	[tilespmem:s31], [sflag:$0x3] =	stream.indirect_vreg.gather [hbm4b:s2+s4], $0x80, v4, vm0, $0xb8;
	[tilespmem:$0x15C00] =	vst v63  }
0x1d5: {  	s11 =	simm.s32 $0xA400  }
0x1d6: {  	[tilespmem:s11], [sflag:$0x3] =	stream.indirect_vreg.gather [hbm4b:s2+s4], $0x80, v3, vm0, $0xb8;
	[tilespmem:$0x15C00] =	vst v63  }
0x1d7: {  	v3 =	vld [tilespmem:s10+$0x1D0];
	_ =	sdelay $0x4  }
0x1d8: {  	v53 =	vshll.u32 v3, $0x1  }
0x1d9: {  	v3 =	vand.u32 $0x7, v3;
	v4 =	vand.u32 $0xFFFFFFF0, v53  }
0x1da: {  	v3 =	vor.u32 v3, v4  }
0x1db: {  	v4 =	vperm.xlane v3, v0;
	_ =	sdelay $0x1  }
0x1dc: {  	v3 =	vperm.xlane v3, v2;
	v4 =	vadd.s32 v1, v4;
	_ =	sdelay $0x1  }
0x1dd: {  	v3 =	vadd.s32 v1, v3;
	_ =	sdelay $0x1  }
0x1de: {  	s11 =	simm.s32 $0xAC00  }
0x1df: {  	[tilespmem:s11], [sflag:$0x3] =	stream.indirect_vreg.gather [hbm4b:s2+s4], $0x80, v4, vm0, $0xb8;
	[tilespmem:$0x15C00] =	vst v63  }
0x1e0: {  	s11 =	simm.s32 $0xB400  }
0x1e1: {  	[tilespmem:s11], [sflag:$0x3] =	stream.indirect_vreg.gather [hbm4b:s2+s4], $0x80, v3, vm0, $0xb8;
	[tilespmem:$0x15C00] =	vst v63  }
0x1e2: {  	v3 =	vld [tilespmem:s10+$0x1E0];
	_ =	sdelay $0x4  }
0x1e3: {  	v54 =	vshll.u32 v3, $0x1  }
0x1e4: {  	v3 =	vand.u32 $0x7, v3;
	v4 =	vand.u32 $0xFFFFFFF0, v54  }
0x1e5: {  	v3 =	vor.u32 v3, v4  }
0x1e6: {  	v4 =	vperm.xlane v3, v0;
	_ =	sdelay $0x1  }
0x1e7: {  	v3 =	vperm.xlane v3, v2;
	v4 =	vadd.s32 v1, v4;
	_ =	sdelay $0x1  }
0x1e8: {  	v3 =	vadd.s32 v1, v3;
	_ =	sdelay $0x1  }
0x1e9: {  	s11 =	simm.s32 $0xBC00  }
0x1ea: {  	[tilespmem:s11], [sflag:$0x3] =	stream.indirect_vreg.gather [hbm4b:s2+s4], $0x80, v4, vm0, $0xb8;
	[tilespmem:$0x15C00] =	vst v63  }
0x1eb: {  	s11 =	simm.s32 $0xC400  }
0x1ec: {  	[tilespmem:s11], [sflag:$0x3] =	stream.indirect_vreg.gather [hbm4b:s2+s4], $0x80, v3, vm0, $0xb8;
	[tilespmem:$0x15C00] =	vst v63  }
0x1ed: {  	v3 =	vld [tilespmem:s10+$0x1F0];
	_ =	sdelay $0x4  }
0x1ee: {  	v55 =	vshll.u32 v3, $0x1  }
0x1ef: {  	v3 =	vand.u32 $0x7, v3;
	v4 =	vand.u32 $0xFFFFFFF0, v55  }
0x1f0: {  	v3 =	vor.u32 v3, v4  }
0x1f1: {  	v4 =	vperm.xlane v3, v0;
	_ =	sdelay $0x1  }
0x1f2: {  	v3 =	vperm.xlane v3, v2;
	v4 =	vadd.s32 v1, v4;
	_ =	sdelay $0x1  }
0x1f3: {  	v3 =	vadd.s32 v1, v3;
	_ =	sdelay $0x2  }
0x1f4: {  	[tilespmem:s3], [sflag:$0x3] =	stream.indirect_vreg.gather [hbm4b:s2+s4], $0x80, v4, vm0, $0xb8;
	[tilespmem:$0x15C00] =	vst v63  }
0x1f5: {  	_ = 	snop  }
0x1f6: {  	[tilespmem:s16], [sflag:$0x3] =	stream.indirect_vreg.gather [hbm4b:s2+s4], $0x80, v3, vm0, $0xb8;
	[tilespmem:$0x15C00] =	vst v63  }
0x1f7: {  	_ =	swait.ge [sflag:s5], $0x4000  }
0x1f8: {  	[sflag:s5] =	ssyncset.done $0x0  }
0x1f9: {  	s6 =	sadd.s32 s8, s6;
	[sflag:s5] =	ssyncadd.s32 $0xFFFFC000  }
0x1fa: {  	[hbm4b:s6+s4] =	stream.linear.scatter [tilespmem:s14], [sflag:$0x6], $0x4000, $0x38;
	[tilespmem:$0x15C00] =	vst v63  }
0x1fb: {  	_ =	swait.ge [sflag:s28], $0x4000  }
0x1fc: {  	[sflag:s28] =	ssyncset.done $0x0  }
0x1fd: {  	[sflag:s28] =	ssyncadd.s32 $0xFFFFC000  }
0x1fe: {  	v3 =	vld [tilespmem:s10+$0x200];
	_ =	sdelay $0x4  }
0x1ff: {  	v56 =	vshll.u32 v3, $0x1  }
0x200: {  	v3 =	vand.u32 $0x7, v3;
	v4 =	vand.u32 $0xFFFFFFF0, v56  }
0x201: {  	v3 =	vor.u32 v3, v4  }
0x202: {  	v4 =	vperm.xlane v3, v0;
	_ =	sdelay $0x1  }
0x203: {  	v3 =	vperm.xlane v3, v2;
	v4 =	vadd.s32 v1, v4;
	_ =	sdelay $0x1  }
0x204: {  	v3 =	vadd.s32 v1, v3;
	_ =	sdelay $0x2  }
0x205: {  	[tilespmem:s21], [sflag:$0x4] =	stream.indirect_vreg.gather [hbm4b:s2+s4], $0x80, v4, vm0, $0xb8;
	[tilespmem:$0x15C00] =	vst v63  }
0x206: {  	s11 =	simm.s32 $0xE400  }
0x207: {  	[tilespmem:s11], [sflag:$0x4] =	stream.indirect_vreg.gather [hbm4b:s2+s4], $0x80, v3, vm0, $0xb8;
	[tilespmem:$0x15C00] =	vst v63  }
0x208: {  	v3 =	vld [tilespmem:s10+$0x210];
	_ =	sdelay $0x4  }
0x209: {  	v57 =	vshll.u32 v3, $0x1  }
0x20a: {  	v3 =	vand.u32 $0x7, v3;
	v4 =	vand.u32 $0xFFFFFFF0, v57  }
0x20b: {  	v3 =	vor.u32 v3, v4  }
0x20c: {  	v4 =	vperm.xlane v3, v0;
	_ =	sdelay $0x1  }
0x20d: {  	v3 =	vperm.xlane v3, v2;
	v4 =	vadd.s32 v1, v4;
	_ =	sdelay $0x1  }
0x20e: {  	v3 =	vadd.s32 v1, v3;
	_ =	sdelay $0x1  }
0x20f: {  	s11 =	simm.s32 $0xEC00  }
0x210: {  	[tilespmem:s11], [sflag:$0x4] =	stream.indirect_vreg.gather [hbm4b:s2+s4], $0x80, v4, vm0, $0xb8;
	[tilespmem:$0x15C00] =	vst v63  }
0x211: {  	s11 =	simm.s32 $0xF400  }
0x212: {  	[tilespmem:s11], [sflag:$0x4] =	stream.indirect_vreg.gather [hbm4b:s2+s4], $0x80, v3, vm0, $0xb8;
	[tilespmem:$0x15C00] =	vst v63  }
0x213: {  	v3 =	vld [tilespmem:s10+$0x220];
	_ =	sdelay $0x4  }
0x214: {  	v58 =	vshll.u32 v3, $0x1  }
0x215: {  	v3 =	vand.u32 $0x7, v3;
	v4 =	vand.u32 $0xFFFFFFF0, v58  }
0x216: {  	v3 =	vor.u32 v3, v4  }
0x217: {  	v4 =	vperm.xlane v3, v0;
	_ =	sdelay $0x1  }
0x218: {  	v3 =	vperm.xlane v3, v2;
	v4 =	vadd.s32 v1, v4;
	_ =	sdelay $0x1  }
0x219: {  	v3 =	vadd.s32 v1, v3;
	_ =	sdelay $0x1  }
0x21a: {  	s11 =	simm.s32 $0xFC00  }
0x21b: {  	[tilespmem:s11], [sflag:$0x4] =	stream.indirect_vreg.gather [hbm4b:s2+s4], $0x80, v4, vm0, $0xb8;
	[tilespmem:$0x15C00] =	vst v63  }
0x21c: {  	s11 =	simm.s32 $0x10400  }
0x21d: {  	[tilespmem:s11], [sflag:$0x4] =	stream.indirect_vreg.gather [hbm4b:s2+s4], $0x80, v3, vm0, $0xb8;
	[tilespmem:$0x15C00] =	vst v63  }
0x21e: {  	v3 =	vld [tilespmem:s10+$0x230];
	_ =	sdelay $0x4  }
0x21f: {  	v59 =	vshll.u32 v3, $0x1  }
0x220: {  	v3 =	vand.u32 $0x7, v3;
	v4 =	vand.u32 $0xFFFFFFF0, v59  }
0x221: {  	v3 =	vor.u32 v3, v4  }
0x222: {  	v4 =	vperm.xlane v3, v0;
	_ =	sdelay $0x1  }
0x223: {  	v3 =	vperm.xlane v3, v2;
	v4 =	vadd.s32 v1, v4;
	_ =	sdelay $0x1  }
0x224: {  	v3 =	vadd.s32 v1, v3;
	_ =	sdelay $0x2  }
0x225: {  	[tilespmem:s17], [sflag:$0x4] =	stream.indirect_vreg.gather [hbm4b:s2+s4], $0x80, v4, vm0, $0xb8;
	[tilespmem:$0x15C00] =	vst v63  }
0x226: {  	_ = 	snop  }
0x227: {  	[tilespmem:s13], [sflag:$0x4] =	stream.indirect_vreg.gather [hbm4b:s2+s4], $0x80, v3, vm0, $0xb8;
	[tilespmem:$0x15C00] =	vst v63  }
0x228: {  	_ =	swait.ge [sflag:s15], $0x4000  }
0x229: {  	s6 =	sadd.s32 $0x60000, s1;
	[sflag:s15] =	ssyncset.done $0x0  }
0x22a: {  	s17 =	sadd.s32 s7, s6;
	[sflag:s15] =	ssyncadd.s32 $0xFFFFC000  }
0x22b: {  	[hbm4b:s17+s4] =	stream.linear.scatter [tilespmem:s22], [sflag:$0x7], $0x4000, $0x38;
	[tilespmem:$0x15C00] =	vst v63  }
0x22c: {  	_ =	swait.ge [sflag:s29], $0x4000  }
0x22d: {  	[sflag:s29] =	ssyncset.done $0x0  }
0x22e: {  	[sflag:s29] =	ssyncadd.s32 $0xFFFFC000  }
0x22f: {  	v3 =	vld [tilespmem:s10+$0x240];
	_ =	sdelay $0x4  }
0x230: {  	v60 =	vshll.u32 v3, $0x1  }
0x231: {  	v3 =	vand.u32 $0x7, v3;
	v4 =	vand.u32 $0xFFFFFFF0, v60  }
0x232: {  	v3 =	vor.u32 v3, v4  }
0x233: {  	v4 =	vperm.xlane v3, v0;
	_ =	sdelay $0x1  }
0x234: {  	v3 =	vperm.xlane v3, v2;
	v4 =	vadd.s32 v1, v4;
	_ =	sdelay $0x1  }
0x235: {  	v3 =	vadd.s32 v1, v3;
	_ =	sdelay $0x2  }
0x236: {  	[tilespmem:s25], [sflag:$0x5] =	stream.indirect_vreg.gather [hbm4b:s2+s4], $0x80, v4, vm0, $0xb8;
	[tilespmem:$0x15C00] =	vst v63  }
0x237: {  	s13 =	simm.s32 $0x12400  }
0x238: {  	[tilespmem:s13], [sflag:$0x5] =	stream.indirect_vreg.gather [hbm4b:s2+s4], $0x80, v3, vm0, $0xb8;
	[tilespmem:$0x15C00] =	vst v63  }
0x239: {  	v3 =	vld [tilespmem:s10+$0x250];
	_ =	sdelay $0x4  }
0x23a: {  	v61 =	vshll.u32 v3, $0x1  }
0x23b: {  	v3 =	vand.u32 $0x7, v3;
	v4 =	vand.u32 $0xFFFFFFF0, v61  }
0x23c: {  	v3 =	vor.u32 v3, v4  }
0x23d: {  	v4 =	vperm.xlane v3, v0;
	_ =	sdelay $0x1  }
0x23e: {  	v3 =	vperm.xlane v3, v2;
	v4 =	vadd.s32 v1, v4;
	_ =	sdelay $0x1  }
0x23f: {  	v3 =	vadd.s32 v1, v3;
	_ =	sdelay $0x1  }
0x240: {  	s17 =	simm.s32 $0x12C00  }
0x241: {  	[tilespmem:s17], [sflag:$0x5] =	stream.indirect_vreg.gather [hbm4b:s2+s4], $0x80, v4, vm0, $0xb8;
	[tilespmem:$0x15C00] =	vst v63  }
0x242: {  	s13 =	simm.s32 $0x13400  }
0x243: {  	[tilespmem:s13], [sflag:$0x5] =	stream.indirect_vreg.gather [hbm4b:s2+s4], $0x80, v3, vm0, $0xb8;
	[tilespmem:$0x15C00] =	vst v63  }
0x244: {  	v3 =	vld [tilespmem:s10+$0x260];
	_ =	sdelay $0x4  }
0x245: {  	v62 =	vshll.u32 v3, $0x1  }
0x246: {  	v3 =	vand.u32 $0x7, v3;
	v4 =	vand.u32 $0xFFFFFFF0, v62  }
0x247: {  	v3 =	vor.u32 v3, v4  }
0x248: {  	v4 =	vperm.xlane v3, v0;
	_ =	sdelay $0x1  }
0x249: {  	v3 =	vperm.xlane v3, v2;
	v4 =	vadd.s32 v1, v4;
	_ =	sdelay $0x1  }
0x24a: {  	v3 =	vadd.s32 v1, v3;
	_ =	sdelay $0x1  }
0x24b: {  	s17 =	simm.s32 $0x13C00  }
0x24c: {  	[tilespmem:s17], [sflag:$0x5] =	stream.indirect_vreg.gather [hbm4b:s2+s4], $0x80, v4, vm0, $0xb8;
	[tilespmem:$0x15C00] =	vst v63  }
0x24d: {  	s13 =	simm.s32 $0x14400  }
0x24e: {  	[tilespmem:s13], [sflag:$0x5] =	stream.indirect_vreg.gather [hbm4b:s2+s4], $0x80, v3, vm0, $0xb8;
	[tilespmem:$0x15C00] =	vst v63  }
0x24f: {  	v3 =	vld [tilespmem:s10+$0x270];
	_ =	sdelay $0x4  }
0x250: {  	v63 =	vshll.u32 v3, $0x1  }
0x251: {  	v3 =	vand.u32 $0x7, v3;
	v4 =	vand.u32 $0xFFFFFFF0, v63  }
0x252: {  	v3 =	vor.u32 v3, v4  }
0x253: {  	v4 =	vperm.xlane v3, v0;
	_ =	sdelay $0x1  }
0x254: {  	v3 =	vperm.xlane v3, v2;
	v4 =	vadd.s32 v1, v4;
	_ =	sdelay $0x1  }
0x255: {  	v3 =	vadd.s32 v1, v3;
	_ =	sdelay $0x2  }
0x256: {  	[tilespmem:s12], [sflag:$0x5] =	stream.indirect_vreg.gather [hbm4b:s2+s4], $0x80, v4, vm0, $0xb8;
	[tilespmem:$0x15C00] =	vst v63  }
0x257: {  	_ = 	snop  }
0x258: {  	[tilespmem:s9], [sflag:$0x5] =	stream.indirect_vreg.gather [hbm4b:s2+s4], $0x80, v3, vm0, $0xb8;
	[tilespmem:$0x15C00] =	vst v63  }
0x259: {  	_ =	swait.ge [sflag:s18], $0x4000  }
0x25a: {  	[sflag:s18] =	ssyncset.done $0x0  }
0x25b: {  	p0 =	seq.s32 s0, $0x5A0000;
	s6 =	sadd.s32 s8, s6;
	[sflag:s18] =	ssyncadd.s32 $0xFFFFC000  }
0x25c: {  	[hbm4b:s6+s4] =	stream.linear.scatter [tilespmem:s31], [sflag:$0x8], $0x4000, $0x38;
	[tilespmem:$0x15C00] =	vst v63  }
0x25d: {  	s6 =	simm.s32 @!p0 $0x6  }
0x25e: {  	_ =	swait.ge @!p0 [sflag:s6], $0x4000  }
0x25f: {  	[sflag:s6] =	ssyncset.done @!p0 $0x0  }
0x260: {  	[sflag:s6] =	ssyncadd.s32 @!p0 $0xFFFFC000;
	s6 =	sshra.s32 @!p0 s30, $0x2  }
0x261: {  	v3 =	vld @!p0 [tilespmem:s6+$0x280];
	_ =	sdelay $0x4  }
0x262: {  	v4 =	vshll.u32 @!p0 v3, $0x1  }
0x263: {  	v5 =	vlaneseq.u32 @!p0;
	v3 =	vand.u32 @!p0 $0x7, v3;
	v4 =	vand.u32 @!p0 $0xFFFFFFF0, v4  }
0x264: {  	v6 =	vshrl.u32 @!p0 v5, $0x3;
	v3 =	vor.u32 @!p0 v3, v4;
	v4 =	vand.u32 @!p0 $0x7, v5  }
0x265: {  	v6 =	vmul.u32 @!p0 $0x8, v6;
	v7 =	vperm.xlane @!p0 v3, v4  }
0x266: {  	v5 =	vor.u32 @!p0 $0x8, v5  }
0x267: {  	v3 =	vperm.xlane @!p0 v3, v5;
	v7 =	vadd.s32 @!p0 v6, v7;
	_ =	sdelay $0x1  }
0x268: {  	v3 =	vadd.s32 @!p0 v6, v3;
	_ =	sdelay $0x1  }
0x269: {  	vm1 =	vmmov @!p0 $0xffff;
	s11 =	simm.s32 @!p0 $0x0;
	s12 =	simm.s32 @!p0 $0x1C00  }
0x26a: {  	[tilespmem:s12], [sflag:$0x1] =	stream.indirect_vreg.gather @!p0 [hbm4b:s2+s11], $0x80, v7, vm1, $0xb8;
	[tilespmem:$0x15C00] =	vst v63  }
0x26b: {  	s12 =	simm.s32 @!p0 $0x2400  }
0x26c: {  	[tilespmem:s12], [sflag:$0x1] =	stream.indirect_vreg.gather @!p0 [hbm4b:s2+s11], $0x80, v3, vm1, $0xb8;
	[tilespmem:$0x15C00] =	vst v63  }
0x26d: {  	v3 =	vld @!p0 [tilespmem:s6+$0x290];
	_ =	sdelay $0x4  }
0x26e: {  	v7 =	vshll.u32 @!p0 v3, $0x1  }
0x26f: {  	v3 =	vand.u32 @!p0 $0x7, v3;
	v7 =	vand.u32 @!p0 $0xFFFFFFF0, v7  }
0x270: {  	v3 =	vor.u32 @!p0 v3, v7  }
0x271: {  	v7 =	vperm.xlane @!p0 v3, v4;
	_ =	sdelay $0x1  }
0x272: {  	v3 =	vperm.xlane @!p0 v3, v5;
	v7 =	vadd.s32 @!p0 v6, v7;
	_ =	sdelay $0x1  }
0x273: {  	v3 =	vadd.s32 @!p0 v6, v3;
	_ =	sdelay $0x1  }
0x274: {  	s12 =	simm.s32 @!p0 $0x2C00  }
0x275: {  	[tilespmem:s12], [sflag:$0x1] =	stream.indirect_vreg.gather @!p0 [hbm4b:s2+s11], $0x80, v7, vm1, $0xb8;
	[tilespmem:$0x15C00] =	vst v63  }
0x276: {  	s12 =	simm.s32 @!p0 $0x3400  }
0x277: {  	[tilespmem:s12], [sflag:$0x1] =	stream.indirect_vreg.gather @!p0 [hbm4b:s2+s11], $0x80, v3, vm1, $0xb8;
	[tilespmem:$0x15C00] =	vst v63  }
0x278: {  	v3 =	vld @!p0 [tilespmem:s6+$0x2A0];
	_ =	sdelay $0x4  }
0x279: {  	v7 =	vshll.u32 @!p0 v3, $0x1  }
0x27a: {  	v3 =	vand.u32 @!p0 $0x7, v3;
	v7 =	vand.u32 @!p0 $0xFFFFFFF0, v7  }
0x27b: {  	v3 =	vor.u32 @!p0 v3, v7  }
0x27c: {  	v7 =	vperm.xlane @!p0 v3, v4;
	_ =	sdelay $0x1  }
0x27d: {  	v3 =	vperm.xlane @!p0 v3, v5;
	v7 =	vadd.s32 @!p0 v6, v7;
	_ =	sdelay $0x1  }
0x27e: {  	v3 =	vadd.s32 @!p0 v6, v3;
	_ =	sdelay $0x1  }
0x27f: {  	s12 =	simm.s32 @!p0 $0x3C00  }
0x280: {  	[tilespmem:s12], [sflag:$0x1] =	stream.indirect_vreg.gather @!p0 [hbm4b:s2+s11], $0x80, v7, vm1, $0xb8;
	[tilespmem:$0x15C00] =	vst v63  }
0x281: {  	s12 =	simm.s32 @!p0 $0x4400  }
0x282: {  	[tilespmem:s12], [sflag:$0x1] =	stream.indirect_vreg.gather @!p0 [hbm4b:s2+s11], $0x80, v3, vm1, $0xb8;
	[tilespmem:$0x15C00] =	vst v63  }
0x283: {  	v3 =	vld @!p0 [tilespmem:s6+$0x2B0];
	_ =	sdelay $0x4  }
0x284: {  	v7 =	vshll.u32 @!p0 v3, $0x1  }
0x285: {  	v3 =	vand.u32 @!p0 $0x7, v3;
	v7 =	vand.u32 @!p0 $0xFFFFFFF0, v7  }
0x286: {  	v3 =	vor.u32 @!p0 v3, v7  }
0x287: {  	v4 =	vperm.xlane @!p0 v3, v4;
	_ =	sdelay $0x1  }
0x288: {  	v3 =	vperm.xlane @!p0 v3, v5;
	v4 =	vadd.s32 @!p0 v6, v4;
	_ =	sdelay $0x1  }
0x289: {  	v3 =	vadd.s32 @!p0 v6, v3;
	_ =	sdelay $0x1  }
0x28a: {  	s6 =	simm.s32 @!p0 $0x4C00  }
0x28b: {  	[tilespmem:s6], [sflag:$0x1] =	stream.indirect_vreg.gather @!p0 [hbm4b:s2+s11], $0x80, v4, vm1, $0xb8;
	[tilespmem:$0x15C00] =	vst v63  }
0x28c: {  	s6 =	simm.s32 @!p0 $0x5400  }
0x28d: {  	[tilespmem:s6], [sflag:$0x1] =	stream.indirect_vreg.gather @!p0 [hbm4b:s2+s11], $0x80, v3, vm1, $0xb8;
	[tilespmem:$0x15C00] =	vst v63  }
.Ltmp2:
0x28e: {  	_ = 	snop;
	(pc) =	sbr.rel @p0 .LBB2_4-.Ltmp2, $4  }
0x28f: {  	_ =	swait.ge [sflag:s20], $0x4000  }
0x290: {  	s1 =	sadd.s32 $0x80000, s1;
	[sflag:s20] =	ssyncset.done $0x0  }
0x291: {  	s17 =	sadd.s32 s7, s1;
	s1 =	sadd.s32 s8, s1;
	[sflag:s20] =	ssyncadd.s32 $0xFFFFC000  }
0x292: {  	[hbm4b:s17+s4] =	stream.linear.scatter [tilespmem:s21], [sflag:$0x9], $0x4000, $0x38;
	[tilespmem:$0x15C00] =	vst v63  }
0x293: {  	_ =	swait.ge [sflag:s23], $0x4000  }
0x294: {  	[sflag:s23] =	ssyncset.done $0x0  }
0x295: {  	[sflag:s23] =	ssyncadd.s32 $0xFFFFC000  }
0x296: {  	v3 =	vld [tilespmem:s10+$0x2C0];
	_ =	sdelay $0x4  }
0x297: {  	v4 =	vshll.u32 v3, $0x1  }
0x298: {  	v3 =	vand.u32 $0x7, v3;
	v4 =	vand.u32 $0xFFFFFFF0, v4  }
0x299: {  	v3 =	vor.u32 v3, v4  }
0x29a: {  	v4 =	vperm.xlane v3, v0;
	_ =	sdelay $0x1  }
0x29b: {  	v3 =	vperm.xlane v3, v2;
	v4 =	vadd.s32 v1, v4;
	_ =	sdelay $0x1  }
0x29c: {  	v3 =	vadd.s32 v1, v3;
	_ =	sdelay $0x2  }
0x29d: {  	[tilespmem:s22], [sflag:$0x2] =	stream.indirect_vreg.gather [hbm4b:s2+s4], $0x80, v4, vm0, $0xb8;
	[tilespmem:$0x15C00] =	vst v63  }
0x29e: {  	s6 =	simm.s32 $0x6400  }
0x29f: {  	[tilespmem:s6], [sflag:$0x2] =	stream.indirect_vreg.gather [hbm4b:s2+s4], $0x80, v3, vm0, $0xb8;
	[tilespmem:$0x15C00] =	vst v63  }
0x2a0: {  	v3 =	vld [tilespmem:s10+$0x2D0];
	_ =	sdelay $0x4  }
0x2a1: {  	v57 =	vshll.u32 v3, $0x1  }
0x2a2: {  	v3 =	vand.u32 $0x7, v3;
	v4 =	vand.u32 $0xFFFFFFF0, v57  }
0x2a3: {  	v3 =	vor.u32 v3, v4  }
0x2a4: {  	v4 =	vperm.xlane v3, v0;
	_ =	sdelay $0x1  }
0x2a5: {  	v3 =	vperm.xlane v3, v2;
	v4 =	vadd.s32 v1, v4;
	_ =	sdelay $0x1  }
0x2a6: {  	v3 =	vadd.s32 v1, v3;
	_ =	sdelay $0x1  }
0x2a7: {  	s17 =	simm.s32 $0x6C00  }
0x2a8: {  	[tilespmem:s17], [sflag:$0x2] =	stream.indirect_vreg.gather [hbm4b:s2+s4], $0x80, v4, vm0, $0xb8;
	[tilespmem:$0x15C00] =	vst v63  }
0x2a9: {  	s9 =	simm.s32 $0x7400  }
0x2aa: {  	[tilespmem:s9], [sflag:$0x2] =	stream.indirect_vreg.gather [hbm4b:s2+s4], $0x80, v3, vm0, $0xb8;
	[tilespmem:$0x15C00] =	vst v63  }
0x2ab: {  	v3 =	vld [tilespmem:s10+$0x2E0];
	_ =	sdelay $0x4  }
0x2ac: {  	v58 =	vshll.u32 v3, $0x1  }
0x2ad: {  	v3 =	vand.u32 $0x7, v3;
	v4 =	vand.u32 $0xFFFFFFF0, v58  }
0x2ae: {  	v3 =	vor.u32 v3, v4  }
0x2af: {  	v4 =	vperm.xlane v3, v0;
	_ =	sdelay $0x1  }
0x2b0: {  	v3 =	vperm.xlane v3, v2;
	v4 =	vadd.s32 v1, v4;
	_ =	sdelay $0x1  }
0x2b1: {  	v3 =	vadd.s32 v1, v3;
	_ =	sdelay $0x1  }
0x2b2: {  	s11 =	simm.s32 $0x7C00  }
0x2b3: {  	[tilespmem:s11], [sflag:$0x2] =	stream.indirect_vreg.gather [hbm4b:s2+s4], $0x80, v4, vm0, $0xb8;
	[tilespmem:$0x15C00] =	vst v63  }
0x2b4: {  	s12 =	simm.s32 $0x8400  }
0x2b5: {  	[tilespmem:s12], [sflag:$0x2] =	stream.indirect_vreg.gather [hbm4b:s2+s4], $0x80, v3, vm0, $0xb8;
	[tilespmem:$0x15C00] =	vst v63  }
0x2b6: {  	v3 =	vld [tilespmem:s10+$0x2F0];
	_ =	sdelay $0x4  }
0x2b7: {  	v59 =	vshll.u32 v3, $0x1  }
0x2b8: {  	v3 =	vand.u32 $0x7, v3;
	v4 =	vand.u32 $0xFFFFFFF0, v59  }
0x2b9: {  	v3 =	vor.u32 v3, v4  }
0x2ba: {  	v4 =	vperm.xlane v3, v0;
	_ =	sdelay $0x1  }
0x2bb: {  	v3 =	vperm.xlane v3, v2;
	v4 =	vadd.s32 v1, v4;
	_ =	sdelay $0x1  }
0x2bc: {  	v3 =	vadd.s32 v1, v3;
	_ =	sdelay $0x1  }
0x2bd: {  	s13 =	simm.s32 $0x8C00  }
0x2be: {  	[tilespmem:s13], [sflag:$0x2] =	stream.indirect_vreg.gather [hbm4b:s2+s4], $0x80, v4, vm0, $0xb8;
	[tilespmem:$0x15C00] =	vst v63  }
0x2bf: {  	s17 =	simm.s32 $0x9400  }
0x2c0: {  	[tilespmem:s17], [sflag:$0x2] =	stream.indirect_vreg.gather [hbm4b:s2+s4], $0x80, v3, vm0, $0xb8;
	[tilespmem:$0x15C00] =	vst v63  }
0x2c1: {  	_ =	swait.ge [sflag:s24], $0x4000  }
0x2c2: {  	[sflag:s24] =	ssyncset.done $0x0  }
0x2c3: {  	[sflag:s24] =	ssyncadd.s32 $0xFFFFC000  }
0x2c4: {  	[hbm4b:s1+s4] =	stream.linear.scatter [tilespmem:s25], [sflag:$0xA], $0x4000, $0x38;
	[tilespmem:$0x15C00] =	vst v63  }
0x2c5: {  	_ =	swait.ge [sflag:s26], $0x4000  }
0x2c6: {  	[sflag:s26] =	ssyncset.done $0x0  }
0x2c7: {  	[sflag:s26] =	ssyncadd.s32 $0xFFFFC000  }
0x2c8: {  	v3 =	vld [tilespmem:s10+$0x300];
	_ =	sdelay $0x4  }
0x2c9: {  	v60 =	vshll.u32 v3, $0x1  }
0x2ca: {  	v3 =	vand.u32 $0x7, v3;
	v4 =	vand.u32 $0xFFFFFFF0, v60  }
0x2cb: {  	v3 =	vor.u32 v3, v4  }
0x2cc: {  	v4 =	vperm.xlane v3, v0;
	_ =	sdelay $0x1  }
0x2cd: {  	v3 =	vperm.xlane v3, v2;
	v4 =	vadd.s32 v1, v4;
	_ =	sdelay $0x1  }
0x2ce: {  	v3 =	vadd.s32 v1, v3;
	_ =	sdelay $0x2  }
0x2cf: {  	[tilespmem:s31], [sflag:$0x3] =	stream.indirect_vreg.gather [hbm4b:s2+s4], $0x80, v4, vm0, $0xb8;
	[tilespmem:$0x15C00] =	vst v63  }
0x2d0: {  	s9 =	simm.s32 $0xA400  }
0x2d1: {  	[tilespmem:s9], [sflag:$0x3] =	stream.indirect_vreg.gather [hbm4b:s2+s4], $0x80, v3, vm0, $0xb8;
	[tilespmem:$0x15C00] =	vst v63  }
0x2d2: {  	v3 =	vld [tilespmem:s10+$0x310];
	_ =	sdelay $0x4  }
0x2d3: {  	v61 =	vshll.u32 v3, $0x1  }
0x2d4: {  	v3 =	vand.u32 $0x7, v3;
	v4 =	vand.u32 $0xFFFFFFF0, v61  }
0x2d5: {  	v3 =	vor.u32 v3, v4  }
0x2d6: {  	v4 =	vperm.xlane v3, v0;
	_ =	sdelay $0x1  }
0x2d7: {  	v3 =	vperm.xlane v3, v2;
	v4 =	vadd.s32 v1, v4;
	_ =	sdelay $0x1  }
0x2d8: {  	v3 =	vadd.s32 v1, v3;
	_ =	sdelay $0x1  }
0x2d9: {  	s11 =	simm.s32 $0xAC00  }
0x2da: {  	[tilespmem:s11], [sflag:$0x3] =	stream.indirect_vreg.gather [hbm4b:s2+s4], $0x80, v4, vm0, $0xb8;
	[tilespmem:$0x15C00] =	vst v63  }
0x2db: {  	s12 =	simm.s32 $0xB400  }
0x2dc: {  	[tilespmem:s12], [sflag:$0x3] =	stream.indirect_vreg.gather [hbm4b:s2+s4], $0x80, v3, vm0, $0xb8;
	[tilespmem:$0x15C00] =	vst v63  }
0x2dd: {  	v3 =	vld [tilespmem:s10+$0x320];
	_ =	sdelay $0x4  }
0x2de: {  	v62 =	vshll.u32 v3, $0x1  }
0x2df: {  	v3 =	vand.u32 $0x7, v3;
	v4 =	vand.u32 $0xFFFFFFF0, v62  }
0x2e0: {  	v3 =	vor.u32 v3, v4  }
0x2e1: {  	v4 =	vperm.xlane v3, v0;
	_ =	sdelay $0x1  }
0x2e2: {  	v3 =	vperm.xlane v3, v2;
	v4 =	vadd.s32 v1, v4;
	_ =	sdelay $0x1  }
0x2e3: {  	v3 =	vadd.s32 v1, v3;
	_ =	sdelay $0x1  }
0x2e4: {  	s13 =	simm.s32 $0xBC00  }
0x2e5: {  	[tilespmem:s13], [sflag:$0x3] =	stream.indirect_vreg.gather [hbm4b:s2+s4], $0x80, v4, vm0, $0xb8;
	[tilespmem:$0x15C00] =	vst v63  }
0x2e6: {  	s17 =	simm.s32 $0xC400  }
0x2e7: {  	[tilespmem:s17], [sflag:$0x3] =	stream.indirect_vreg.gather [hbm4b:s2+s4], $0x80, v3, vm0, $0xb8;
	[tilespmem:$0x15C00] =	vst v63  }
0x2e8: {  	v3 =	vld [tilespmem:s10+$0x330];
	_ =	sdelay $0x4  }
0x2e9: {  	v63 =	vshll.u32 v3, $0x1  }
0x2ea: {  	v3 =	vand.u32 $0x7, v3;
	v4 =	vand.u32 $0xFFFFFFF0, v63  }
0x2eb: {  	v3 =	vor.u32 v3, v4  }
0x2ec: {  	v4 =	vperm.xlane v3, v0;
	_ =	sdelay $0x1  }
0x2ed: {  	v3 =	vperm.xlane v3, v2;
	v4 =	vadd.s32 v1, v4;
	_ =	sdelay $0x1  }
0x2ee: {  	v3 =	vadd.s32 v1, v3  }
.Ltmp3:
0x2ef: {  	_ = 	snop;
	(pc) =	sbr.rel .LBB2_2-.Ltmp3, $4  }
0x2f0: {  	_ = 	snop  }
0x2f1: {  	[tilespmem:s3], [sflag:$0x3] =	stream.indirect_vreg.gather [hbm4b:s2+s4], $0x80, v4, vm0, $0xb8;
	[tilespmem:$0x15C00] =	vst v63  }
0x2f2: {  	s0 =	sadd.s32 $0xA0000, s0;
	s30 =	sadd.s32 $0xA00, s30  }
0x2f3: {  	[tilespmem:s16], [sflag:$0x3] =	stream.indirect_vreg.gather [hbm4b:s2+s4], $0x80, v3, vm0, $0xb8;
	[tilespmem:$0x15C00] =	vst v63  }
.LBB2_5:
0x2f4: {  	_ =	sfence.sel $0x180000  }
0x2f5: {  	[bflag:$0x0] =	sbarrier.arrive $0xFFFF  }
0x2f6: {  	_ =	strace $0x90000047  }
0x2f7: {  	s0 =	stileid.u32;
	[bflag:$0x2] =	sbarrier.arrive $0xFFFF  }
0x2f8: {  	p0 =	sne.s32 s0, $0x0;
	s0 =	rddreg [dreg:$0x3]  }
0x2f9: {  	s0 =	sadd.s32 @!p0 $0x100000, s0  }
0x2fa: {  	[sflag:s0] =	ssyncadd.tile.s32 @!p0 $0x1;
	_ =	shalt  }
.Lfunc_end2:
_tile_overlayer_lowered:
.L_overlay_start_2:
0x2fb: {  	(tag) =	ssettag $0x2  }
0x2fc: {  	s0 =	rddreg [dreg:$0x0];
	s2 =	stileid.u32  }
0x2fd: {  	s1 =	rddreg [dreg:$0x1];
	p0 =	sne.s32 s2, $0x0  }
0x2fe: {  	s3 =	rddreg [dreg:$0x2];
	[bflag:$0x3] =	sbarrier.arrive $0xFFFF;
	s2 =	simm.s32 @!p0 $0x1C0B  }
0x2ff: {  	[timem:s3], [sflag:s2] =	dma.local @!p0 [hbm:s0], s1  }
0x300: {  	s0 =	simm.s32 @!p0 $0xB  }
0x301: {  	_ =	swait.ge @!p0 [sflag:s0], s1  }
0x302: {  	s1 =	ssub.s32 @!p0 $0x0, s1;
	[sflag:s0] =	ssyncset.done @!p0 $0x0  }
0x303: {  	[sflag:s0] =	ssyncadd.s32 @!p0 s1  }
0x304: {  	[bflag:$0x3] =	sbarrier.arrive $0xFFFF  }
0x305: {  	_ =	shalt  }

</sc_bundles>
